<compile_context>
chip_gen: v7x
topology: tpu7x:2x2x1
jax: 0.10.2.dev20260603
libtpu: 0.0.44.dev20260713+nightly
codegen_flags: <defaults>
</compile_context>

<pallas_src>
import functools

import jax
import jax.numpy as jnp
from jax import lax
from jax.experimental import pallas as pl
from jax.experimental.pallas import tpu as pltpu
from jax.experimental.pallas import tpu_sc as plsc

_L = 16
_UNROLL = 8


@functools.lru_cache(maxsize=None)
def _make_gather(seq, batch, d, vocab):
    mesh = plsc.VectorSubcoreMesh(core_axis_name="c", subcore_axis_name="s")
    nc = mesh.num_cores
    num_workers = nc * mesh.num_subcores
    d_per_w = d // num_workers
    ni_, no_, u_ = 2, 2, 4
    assert (seq - 2) % u_ == 0

    @functools.partial(
        pl.kernel,
        mesh=mesh,
        out_type=jax.ShapeDtypeStruct((seq, d, batch), jnp.float32),
        compiler_params=pltpu.CompilerParams(
            use_tc_tiling_on_sc=True, needs_layout_passes=False
        ),
        scratch_types=[
            pltpu.VMEM((vocab,), jnp.float32),
            pltpu.VMEM_SHARED((seq * batch,), jnp.int32),
        ]
        + [pltpu.VMEM((batch,), jnp.int32) for _ in range(ni_)]
        + [pltpu.VMEM((batch,), jnp.float32) for _ in range(no_)]
        + [pltpu.SemaphoreType.DMA for _ in range(ni_ + no_ + 2)],
    )
    def gather(ids_hbm, table_hbm, out_hbm, row_v, ids_sh, *bufs):
        wid = lax.axis_index("s") * nc + lax.axis_index("c")
        ibs = bufs[:ni_]
        obs = bufs[ni_:ni_ + no_]
        sis = bufs[ni_ + no_:2 * ni_ + no_]
        sos = bufs[2 * ni_ + no_:2 * (ni_ + no_)]
        st_sem = bufs[2 * (ni_ + no_)]
        row_sem = bufs[2 * (ni_ + no_) + 1]

        pltpu.async_copy(table_hbm.at[wid], row_v, row_sem)

        sid = lax.axis_index("s")
        n_share = (seq + mesh.num_subcores - 1) // mesh.num_subcores
        for k in range(n_share):
            r = sid + mesh.num_subcores * k

            @pl.when(r < seq)
            def _():
                pltpu.async_copy(
                    ids_hbm.at[r], ids_sh.at[pl.ds(r * batch, batch)], st_sem
                )

        for k in range(n_share):
            r = sid + mesh.num_subcores * k

            @pl.when(r < seq)
            def _():
                pltpu.make_async_copy(
                    ids_hbm.at[r], ids_sh.at[pl.ds(r * batch, batch)], st_sem
                ).wait()

        plsc.subcore_barrier()

        def compute(ib, ob):
            @plsc.parallel_loop(0, batch, step=_L, unroll=_UNROLL)
            def _(off):
                idx = ib[pl.ds(off, _L)]
                ob[pl.ds(off, _L)] = plsc.load_gather(row_v, [idx])

        def run_feature(dd, fire_next):
            def ids_row(s):
                return ids_sh.at[pl.ds(s * batch, batch)]

            for p in range(ni_ - 1):
                pltpu.async_copy(ids_row(p), ibs[p], sis[p])
            pltpu.make_async_copy(table_hbm.at[dd], row_v, row_sem).wait()

            def body(s, bi, bo, prefetch, reclaim_always, i):
                pltpu.make_async_copy(ids_row(s), ibs[bi], sis[bi]).wait()
                if prefetch is not None:
                    nxt = (bi + ni_ - 1) % ni_

                    def fire():
                        pltpu.async_copy(
                            ids_row(s + ni_ - 1), ibs[nxt], sis[nxt]
                        )

                    if prefetch is True:
                        fire()
                    else:
                        pl.when(prefetch)(fire)

                def reclaim():
                    pltpu.make_async_copy(
                        obs[bo], out_hbm.at[s - no_, dd], sos[bo]
                    ).wait()

                if reclaim_always:
                    reclaim()
                else:
                    @pl.when(i >= 1)
                    def _():
                        reclaim()

                compute(ibs[bi], obs[bo])
                pltpu.async_copy(obs[bo], out_hbm.at[s, dd], sos[bo])

            n_iter = (seq - 2) // u_

            def s_iter(i, carry):
                for u in range(u_):
                    s = i * u_ + u
                    pf = True
                    if (n_iter - 1) * u_ + u + ni_ - 1 >= seq:
                        pf = i < n_iter - 1
                    body(s, u % ni_, u % no_, pf, u >= no_, i)
                return carry

            lax.fori_loop(0, n_iter, s_iter, 0)
            for s in (seq - 2, seq - 1):
                pf = True if s + ni_ - 1 < seq else None
                body(s, s % ni_, s % no_, pf, True, 0)
            if fire_next is not None:
                pltpu.async_copy(table_hbm.at[fire_next], row_v, row_sem)
            for s in range(seq - no_, seq):
                pltpu.make_async_copy(obs[s % no_], out_hbm.at[s, dd],
                                      sos[s % no_]).wait()

        for dp in range(d_per_w):
            dd = wid + num_workers * dp
            nxt = wid + num_workers * (dp + 1) if dp + 1 < d_per_w else None
            run_feature(dd, nxt)

    return gather


def kernel(ids, table):
    batch, seq = ids.shape
    vocab, d = table.shape
    ids_t = jnp.transpose(ids.astype(jnp.int32))
    table_t = jnp.transpose(table)

    info = plsc.get_sparse_core_info()
    num_workers = info.num_cores * info.num_subcores
    assert d % num_workers == 0 and seq % 2 == 0
    assert batch % (_L * _UNROLL) == 0
    out_t = _make_gather(seq, batch, d, vocab)(ids_t, table_t)
    return jnp.transpose(out_t, (2, 0, 1))

# --- scband reference (transcript-rebuilt; emitter-appended) ---
"""Pipeline reference for scband-embedding-44719199486126 (READ-ONLY COPY).

The authoritative reference and input builder live on the scoring server;
editing this copy changes nothing except your own understanding.
"""

import jax, jax.numpy as jnp
import numpy as np


def setup_inputs(seed: int = 0) -> dict:
    key = jax.random.key(seed)
    k1, k2 = jax.random.split(key)
    ids = jax.random.randint(k1, (4096, 50), 0, 100000, dtype=jnp.int64)
    table = jax.random.normal(k2, (100000, 64), dtype=jnp.float32) * 0.05
    return {"ids": ids, "table": table}


def reference(ids, table):
    # Dynamic-embedding style lookup: flatten ids, unique them (with_unique=True),
    # gather unique embeddings, scatter back via inverse indices, reshape to
    # shape(ids) + [embedding_size]. Mathematically identical to a plain gather.
    input_shape = ids.shape
    embedding_size = table.shape[1]
    ids_flat = jnp.reshape(ids, (-1,))
    # with_unique path: unique + gather + inverse-index lookup
    n = ids_flat.shape[0]
    unique_ids, inverse = jnp.unique(ids_flat, return_inverse=True, size=n, fill_value=0)
    unique_embeddings = jnp.take(table, unique_ids, axis=0)
    embeddings_flat = jnp.take(unique_embeddings, inverse, axis=0)
    embeddings = jnp.reshape(embeddings_flat, input_shape + (embedding_size,))
    return embeddings

if __name__ == "__main__":
    import jax
    _d = setup_inputs()
    print(jax.jit(kernel)(*tuple(_d.values())))

</pallas_src>

<mosaic_0001>
#map = affine_map<(d0, d1) -> (0, 0)>
#map1 = affine_map<(d0, d1) -> (0, 0, 0)>
module attributes {stable_mosaic.version = 14 : i64} {
  func.func @gather(%arg0: i32, %arg1: i32, %arg2: memref<50x4096xi32, #tpu.memory_space<hbm>>, %arg3: memref<64x100000xf32, #tpu.memory_space<hbm>>, %arg4: memref<50x64x4096xf32, #tpu.memory_space<hbm>>, %arg5: memref<100000xf32, #tpu.memory_space<vmem>>, %arg6: memref<204800xi32, #tpu.memory_space<vmem_shared>>, %arg7: memref<4096xi32, #tpu.memory_space<vmem>>, %arg8: memref<4096xi32, #tpu.memory_space<vmem>>, %arg9: memref<4096xf32, #tpu.memory_space<vmem>>, %arg10: memref<4096xf32, #tpu.memory_space<vmem>>, %arg11: memref<!tpu.dma_semaphore, #tpu.memory_space<semaphore_mem>>, %arg12: memref<!tpu.dma_semaphore, #tpu.memory_space<semaphore_mem>>, %arg13: memref<!tpu.dma_semaphore, #tpu.memory_space<semaphore_mem>>, %arg14: memref<!tpu.dma_semaphore, #tpu.memory_space<semaphore_mem>>, %arg15: memref<!tpu.dma_semaphore, #tpu.memory_space<semaphore_mem>>, %arg16: memref<!tpu.dma_semaphore, #tpu.memory_space<semaphore_mem>>) attributes {dimension_semantics = [#tpu.dimension_semantics<core_parallel>, #tpu.dimension_semantics<subcore_parallel>], iteration_bounds = array<i64: 2, 16>, scalar_prefetch = 0 : i64, scratch_operands = 12 : i64, tpu.core_type = #tpu.core_type<sc_vector_subcore>, window_params = [{transform_indices = #map}, {transform_indices = #map}, {transform_indices = #map1}]} {
    %mul3A = arith.constant 2 : i32
    %mul3A_0 = arith.muli %arg1, %mul3A : i32
    %add3A = arith.addi %mul3A_0, %arg0 : i32
    %dma_start3A = arith.constant 0 : i32
    %dma_start3A_1 = tpu.memref_slice %arg3[%add3A, %dma_start3A] : memref<64x100000xf32, #tpu.memory_space<hbm>> -> memref<1x100000xf32, #tpu.memory_space<hbm>>
    %dma_start3A_2 = tpu.memref_squeeze %dma_start3A_1 : memref<1x100000xf32, #tpu.memory_space<hbm>> -> memref<100000xf32, #tpu.memory_space<hbm>>
    %dma_start3A_3 = arith.constant 0 : i32
    %dma_start3A_4 = tpu.memref_slice %arg3[%add3A, %dma_start3A_3] : memref<64x100000xf32, #tpu.memory_space<hbm>> -> memref<1x100000xf32, #tpu.memory_space<hbm>>
    %dma_start3A_5 = tpu.memref_squeeze %dma_start3A_4 : memref<1x100000xf32, #tpu.memory_space<hbm>> -> memref<100000xf32, #tpu.memory_space<hbm>>
    tpu.enqueue_dma source(%dma_start3A_5 : memref<100000xf32, #tpu.memory_space<hbm>>) target(%arg5 : memref<100000xf32, #tpu.memory_space<vmem>>) target_semaphore(%arg16 : memref<!tpu.dma_semaphore, #tpu.memory_space<semaphore_mem>>)
    %add3A_6 = arith.constant 0 : i32
    %add3A_7 = arith.addi %arg1, %add3A_6 : i32
    %lt3A = arith.constant 50 : i32
    %lt3A_8 = arith.cmpi slt, %add3A_7, %lt3A : i32
    %convert_element_type3A = arith.extui %lt3A_8 : i1 to i32
    %cond3A = arith.constant 0 : i32
    %cond3A_9 = arith.cmpi ne, %convert_element_type3A, %cond3A : i32
    scf.if %cond3A_9 {
      %mul3A_220 = arith.constant 4096 : i32
      %mul3A_221 = arith.muli %add3A_7, %mul3A_220 : i32
      %dma_start3A_222 = tpu.memref_slice %arg6[%mul3A_221] : memref<204800xi32, #tpu.memory_space<vmem_shared>> -> memref<4096xi32, #tpu.memory_space<vmem_shared>>
      %dma_start3A_223 = arith.constant 0 : i32
      %dma_start3A_224 = tpu.memref_slice %arg2[%add3A_7, %dma_start3A_223] : memref<50x4096xi32, #tpu.memory_space<hbm>> -> memref<1x4096xi32, #tpu.memory_space<hbm>>
      %dma_start3A_225 = tpu.memref_squeeze %dma_start3A_224 : memref<1x4096xi32, #tpu.memory_space<hbm>> -> memref<4096xi32, #tpu.memory_space<hbm>>
      tpu.enqueue_dma source(%dma_start3A_225 : memref<4096xi32, #tpu.memory_space<hbm>>) target(%dma_start3A_222 : memref<4096xi32, #tpu.memory_space<vmem_shared>>) target_semaphore(%arg15 : memref<!tpu.dma_semaphore, #tpu.memory_space<semaphore_mem>>)
    } else {
    }
    %add3A_10 = arith.constant 16 : i32
    %add3A_11 = arith.addi %arg1, %add3A_10 : i32
    %lt3A_12 = arith.constant 50 : i32
    %lt3A_13 = arith.cmpi slt, %add3A_11, %lt3A_12 : i32
    %convert_element_type3A_14 = arith.extui %lt3A_13 : i1 to i32
    %cond3A_15 = arith.constant 0 : i32
    %cond3A_16 = arith.cmpi ne, %convert_element_type3A_14, %cond3A_15 : i32
    scf.if %cond3A_16 {
      %mul3A_220 = arith.constant 4096 : i32
      %mul3A_221 = arith.muli %add3A_11, %mul3A_220 : i32
      %dma_start3A_222 = tpu.memref_slice %arg6[%mul3A_221] : memref<204800xi32, #tpu.memory_space<vmem_shared>> -> memref<4096xi32, #tpu.memory_space<vmem_shared>>
      %dma_start3A_223 = arith.constant 0 : i32
      %dma_start3A_224 = tpu.memref_slice %arg2[%add3A_11, %dma_start3A_223] : memref<50x4096xi32, #tpu.memory_space<hbm>> -> memref<1x4096xi32, #tpu.memory_space<hbm>>
      %dma_start3A_225 = tpu.memref_squeeze %dma_start3A_224 : memref<1x4096xi32, #tpu.memory_space<hbm>> -> memref<4096xi32, #tpu.memory_space<hbm>>
      tpu.enqueue_dma source(%dma_start3A_225 : memref<4096xi32, #tpu.memory_space<hbm>>) target(%dma_start3A_222 : memref<4096xi32, #tpu.memory_space<vmem_shared>>) target_semaphore(%arg15 : memref<!tpu.dma_semaphore, #tpu.memory_space<semaphore_mem>>)
    } else {
    }
    %add3A_17 = arith.constant 32 : i32
    %add3A_18 = arith.addi %arg1, %add3A_17 : i32
    %lt3A_19 = arith.constant 50 : i32
    %lt3A_20 = arith.cmpi slt, %add3A_18, %lt3A_19 : i32
    %convert_element_type3A_21 = arith.extui %lt3A_20 : i1 to i32
    %cond3A_22 = arith.constant 0 : i32
    %cond3A_23 = arith.cmpi ne, %convert_element_type3A_21, %cond3A_22 : i32
    scf.if %cond3A_23 {
      %mul3A_220 = arith.constant 4096 : i32
      %mul3A_221 = arith.muli %add3A_18, %mul3A_220 : i32
      %dma_start3A_222 = tpu.memref_slice %arg6[%mul3A_221] : memref<204800xi32, #tpu.memory_space<vmem_shared>> -> memref<4096xi32, #tpu.memory_space<vmem_shared>>
      %dma_start3A_223 = arith.constant 0 : i32
      %dma_start3A_224 = tpu.memref_slice %arg2[%add3A_18, %dma_start3A_223] : memref<50x4096xi32, #tpu.memory_space<hbm>> -> memref<1x4096xi32, #tpu.memory_space<hbm>>
      %dma_start3A_225 = tpu.memref_squeeze %dma_start3A_224 : memref<1x4096xi32, #tpu.memory_space<hbm>> -> memref<4096xi32, #tpu.memory_space<hbm>>
      tpu.enqueue_dma source(%dma_start3A_225 : memref<4096xi32, #tpu.memory_space<hbm>>) target(%dma_start3A_222 : memref<4096xi32, #tpu.memory_space<vmem_shared>>) target_semaphore(%arg15 : memref<!tpu.dma_semaphore, #tpu.memory_space<semaphore_mem>>)
    } else {
    }
    %add3A_24 = arith.constant 48 : i32
    %add3A_25 = arith.addi %arg1, %add3A_24 : i32
    %lt3A_26 = arith.constant 50 : i32
    %lt3A_27 = arith.cmpi slt, %add3A_25, %lt3A_26 : i32
    %convert_element_type3A_28 = arith.extui %lt3A_27 : i1 to i32
    %cond3A_29 = arith.constant 0 : i32
    %cond3A_30 = arith.cmpi ne, %convert_element_type3A_28, %cond3A_29 : i32
    scf.if %cond3A_30 {
      %mul3A_220 = arith.constant 4096 : i32
      %mul3A_221 = arith.muli %add3A_25, %mul3A_220 : i32
      %dma_start3A_222 = tpu.memref_slice %arg6[%mul3A_221] : memref<204800xi32, #tpu.memory_space<vmem_shared>> -> memref<4096xi32, #tpu.memory_space<vmem_shared>>
      %dma_start3A_223 = arith.constant 0 : i32
      %dma_start3A_224 = tpu.memref_slice %arg2[%add3A_25, %dma_start3A_223] : memref<50x4096xi32, #tpu.memory_space<hbm>> -> memref<1x4096xi32, #tpu.memory_space<hbm>>
      %dma_start3A_225 = tpu.memref_squeeze %dma_start3A_224 : memref<1x4096xi32, #tpu.memory_space<hbm>> -> memref<4096xi32, #tpu.memory_space<hbm>>
      tpu.enqueue_dma source(%dma_start3A_225 : memref<4096xi32, #tpu.memory_space<hbm>>) target(%dma_start3A_222 : memref<4096xi32, #tpu.memory_space<vmem_shared>>) target_semaphore(%arg15 : memref<!tpu.dma_semaphore, #tpu.memory_space<semaphore_mem>>)
    } else {
    }
    %add3A_31 = arith.constant 0 : i32
    %add3A_32 = arith.addi %arg1, %add3A_31 : i32
    %lt3A_33 = arith.constant 50 : i32
    %lt3A_34 = arith.cmpi slt, %add3A_32, %lt3A_33 : i32
    %convert_element_type3A_35 = arith.extui %lt3A_34 : i1 to i32
    %cond3A_36 = arith.constant 0 : i32
    %cond3A_37 = arith.cmpi ne, %convert_element_type3A_35, %cond3A_36 : i32
    scf.if %cond3A_37 {
      %mul3A_220 = arith.constant 4096 : i32
      %mul3A_221 = arith.muli %add3A_32, %mul3A_220 : i32
      %dma_wait3A_222 = tpu.memref_slice %arg6[%mul3A_221] : memref<204800xi32, #tpu.memory_space<vmem_shared>> -> memref<4096xi32, #tpu.memory_space<vmem_shared>>
      %dma_wait3A_223 = arith.constant 0 : i32
      %dma_wait3A_224 = tpu.memref_slice %arg2[%add3A_32, %dma_wait3A_223] : memref<50x4096xi32, #tpu.memory_space<hbm>> -> memref<1x4096xi32, #tpu.memory_space<hbm>>
      %dma_wait3A_225 = tpu.memref_squeeze %dma_wait3A_224 : memref<1x4096xi32, #tpu.memory_space<hbm>> -> memref<4096xi32, #tpu.memory_space<hbm>>
      tpu.wait_dma2 semaphore(%arg15 : memref<!tpu.dma_semaphore, #tpu.memory_space<semaphore_mem>>) src(%dma_wait3A_225 : memref<4096xi32, #tpu.memory_space<hbm>>) dst(%dma_wait3A_222 : memref<4096xi32, #tpu.memory_space<vmem_shared>>)
    } else {
    }
    %add3A_38 = arith.constant 16 : i32
    %add3A_39 = arith.addi %arg1, %add3A_38 : i32
    %lt3A_40 = arith.constant 50 : i32
    %lt3A_41 = arith.cmpi slt, %add3A_39, %lt3A_40 : i32
    %convert_element_type3A_42 = arith.extui %lt3A_41 : i1 to i32
    %cond3A_43 = arith.constant 0 : i32
    %cond3A_44 = arith.cmpi ne, %convert_element_type3A_42, %cond3A_43 : i32
    scf.if %cond3A_44 {
      %mul3A_220 = arith.constant 4096 : i32
      %mul3A_221 = arith.muli %add3A_39, %mul3A_220 : i32
      %dma_wait3A_222 = tpu.memref_slice %arg6[%mul3A_221] : memref<204800xi32, #tpu.memory_space<vmem_shared>> -> memref<4096xi32, #tpu.memory_space<vmem_shared>>
      %dma_wait3A_223 = arith.constant 0 : i32
      %dma_wait3A_224 = tpu.memref_slice %arg2[%add3A_39, %dma_wait3A_223] : memref<50x4096xi32, #tpu.memory_space<hbm>> -> memref<1x4096xi32, #tpu.memory_space<hbm>>
      %dma_wait3A_225 = tpu.memref_squeeze %dma_wait3A_224 : memref<1x4096xi32, #tpu.memory_space<hbm>> -> memref<4096xi32, #tpu.memory_space<hbm>>
      tpu.wait_dma2 semaphore(%arg15 : memref<!tpu.dma_semaphore, #tpu.memory_space<semaphore_mem>>) src(%dma_wait3A_225 : memref<4096xi32, #tpu.memory_space<hbm>>) dst(%dma_wait3A_222 : memref<4096xi32, #tpu.memory_space<vmem_shared>>)
    } else {
    }
    %add3A_45 = arith.constant 32 : i32
    %add3A_46 = arith.addi %arg1, %add3A_45 : i32
    %lt3A_47 = arith.constant 50 : i32
    %lt3A_48 = arith.cmpi slt, %add3A_46, %lt3A_47 : i32
    %convert_element_type3A_49 = arith.extui %lt3A_48 : i1 to i32
    %cond3A_50 = arith.constant 0 : i32
    %cond3A_51 = arith.cmpi ne, %convert_element_type3A_49, %cond3A_50 : i32
    scf.if %cond3A_51 {
      %mul3A_220 = arith.constant 4096 : i32
      %mul3A_221 = arith.muli %add3A_46, %mul3A_220 : i32
      %dma_wait3A_222 = tpu.memref_slice %arg6[%mul3A_221] : memref<204800xi32, #tpu.memory_space<vmem_shared>> -> memref<4096xi32, #tpu.memory_space<vmem_shared>>
      %dma_wait3A_223 = arith.constant 0 : i32
      %dma_wait3A_224 = tpu.memref_slice %arg2[%add3A_46, %dma_wait3A_223] : memref<50x4096xi32, #tpu.memory_space<hbm>> -> memref<1x4096xi32, #tpu.memory_space<hbm>>
      %dma_wait3A_225 = tpu.memref_squeeze %dma_wait3A_224 : memref<1x4096xi32, #tpu.memory_space<hbm>> -> memref<4096xi32, #tpu.memory_space<hbm>>
      tpu.wait_dma2 semaphore(%arg15 : memref<!tpu.dma_semaphore, #tpu.memory_space<semaphore_mem>>) src(%dma_wait3A_225 : memref<4096xi32, #tpu.memory_space<hbm>>) dst(%dma_wait3A_222 : memref<4096xi32, #tpu.memory_space<vmem_shared>>)
    } else {
    }
    %add3A_52 = arith.constant 48 : i32
    %add3A_53 = arith.addi %arg1, %add3A_52 : i32
    %lt3A_54 = arith.constant 50 : i32
    %lt3A_55 = arith.cmpi slt, %add3A_53, %lt3A_54 : i32
    %convert_element_type3A_56 = arith.extui %lt3A_55 : i1 to i32
    %cond3A_57 = arith.constant 0 : i32
    %cond3A_58 = arith.cmpi ne, %convert_element_type3A_56, %cond3A_57 : i32
    scf.if %cond3A_58 {
      %mul3A_220 = arith.constant 4096 : i32
      %mul3A_221 = arith.muli %add3A_53, %mul3A_220 : i32
      %dma_wait3A_222 = tpu.memref_slice %arg6[%mul3A_221] : memref<204800xi32, #tpu.memory_space<vmem_shared>> -> memref<4096xi32, #tpu.memory_space<vmem_shared>>
      %dma_wait3A_223 = arith.constant 0 : i32
      %dma_wait3A_224 = tpu.memref_slice %arg2[%add3A_53, %dma_wait3A_223] : memref<50x4096xi32, #tpu.memory_space<hbm>> -> memref<1x4096xi32, #tpu.memory_space<hbm>>
      %dma_wait3A_225 = tpu.memref_squeeze %dma_wait3A_224 : memref<1x4096xi32, #tpu.memory_space<hbm>> -> memref<4096xi32, #tpu.memory_space<hbm>>
      tpu.wait_dma2 semaphore(%arg15 : memref<!tpu.dma_semaphore, #tpu.memory_space<semaphore_mem>>) src(%dma_wait3A_225 : memref<4096xi32, #tpu.memory_space<hbm>>) dst(%dma_wait3A_222 : memref<4096xi32, #tpu.memory_space<vmem_shared>>)
    } else {
    }
    %barrier3A = arith.constant 0 : index
    tpu.barrier barrier_id(%barrier3A)
    %add3A_59 = arith.constant 0 : i32
    %add3A_60 = arith.addi %add3A, %add3A_59 : i32
    %add3A_61 = arith.constant 32 : i32
    %add3A_62 = arith.addi %add3A, %add3A_61 : i32
    %dma_start3A_63 = arith.constant 0 : i32
    %dma_start3A_64 = tpu.memref_slice %arg6[%dma_start3A_63] : memref<204800xi32, #tpu.memory_space<vmem_shared>> -> memref<4096xi32, #tpu.memory_space<vmem_shared>>
    %dma_start3A_65 = arith.constant 0 : i32
    %dma_start3A_66 = tpu.memref_slice %arg6[%dma_start3A_65] : memref<204800xi32, #tpu.memory_space<vmem_shared>> -> memref<4096xi32, #tpu.memory_space<vmem_shared>>
    tpu.enqueue_dma source(%dma_start3A_66 : memref<4096xi32, #tpu.memory_space<vmem_shared>>) target(%arg7 : memref<4096xi32, #tpu.memory_space<vmem>>) target_semaphore(%arg11 : memref<!tpu.dma_semaphore, #tpu.memory_space<semaphore_mem>>)
    %dma_wait3A = arith.constant 0 : i32
    %dma_wait3A_67 = tpu.memref_slice %arg3[%add3A_60, %dma_wait3A] : memref<64x100000xf32, #tpu.memory_space<hbm>> -> memref<1x100000xf32, #tpu.memory_space<hbm>>
    %dma_wait3A_68 = tpu.memref_squeeze %dma_wait3A_67 : memref<1x100000xf32, #tpu.memory_space<hbm>> -> memref<100000xf32, #tpu.memory_space<hbm>>
    %dma_wait3A_69 = arith.constant 0 : i32
    %dma_wait3A_70 = tpu.memref_slice %arg3[%add3A_60, %dma_wait3A_69] : memref<64x100000xf32, #tpu.memory_space<hbm>> -> memref<1x100000xf32, #tpu.memory_space<hbm>>
    %dma_wait3A_71 = tpu.memref_squeeze %dma_wait3A_70 : memref<1x100000xf32, #tpu.memory_space<hbm>> -> memref<100000xf32, #tpu.memory_space<hbm>>
    tpu.wait_dma2 semaphore(%arg16 : memref<!tpu.dma_semaphore, #tpu.memory_space<semaphore_mem>>) src(%dma_wait3A_71 : memref<100000xf32, #tpu.memory_space<hbm>>) dst(%arg5 : memref<100000xf32, #tpu.memory_space<vmem>>)
    %scan3A = arith.constant 0 : i32
    %scan3A_72 = arith.constant 0 : i32
    %scan3A_73 = arith.constant 12 : i32
    %scan3A_74 = arith.addi %scan3A_72, %scan3A_73 : i32
    %scan3A_75 = arith.constant 1 : i32
    scf.for %scan3A_220 = %scan3A_72 to %scan3A_74 step %scan3A_75  : i32 {
      %mul3A_221 = arith.constant 4 : i32
      %mul3A_222 = arith.muli %scan3A_220, %mul3A_221 : i32
      %add3A_223 = arith.constant 0 : i32
      %add3A_224 = arith.addi %mul3A_222, %add3A_223 : i32
      %mul3A_225 = arith.constant 4096 : i32
      %mul3A_226 = arith.muli %add3A_224, %mul3A_225 : i32
      %dma_wait3A_227 = tpu.memref_slice %arg6[%mul3A_226] : memref<204800xi32, #tpu.memory_space<vmem_shared>> -> memref<4096xi32, #tpu.memory_space<vmem_shared>>
      %dma_wait3A_228 = tpu.memref_slice %arg6[%mul3A_226] : memref<204800xi32, #tpu.memory_space<vmem_shared>> -> memref<4096xi32, #tpu.memory_space<vmem_shared>>
      tpu.wait_dma2 semaphore(%arg11 : memref<!tpu.dma_semaphore, #tpu.memory_space<semaphore_mem>>) src(%dma_wait3A_228 : memref<4096xi32, #tpu.memory_space<vmem_shared>>) dst(%arg7 : memref<4096xi32, #tpu.memory_space<vmem>>)
      %add3A_229 = arith.constant 2 : i32
      %add3A_230 = arith.addi %add3A_224, %add3A_229 : i32
      %sub3A = arith.constant 1 : i32
      %sub3A_231 = arith.subi %add3A_230, %sub3A : i32
      %mul3A_232 = arith.constant 4096 : i32
      %mul3A_233 = arith.muli %sub3A_231, %mul3A_232 : i32
      %dma_start3A_234 = tpu.memref_slice %arg6[%mul3A_233] : memref<204800xi32, #tpu.memory_space<vmem_shared>> -> memref<4096xi32, #tpu.memory_space<vmem_shared>>
      %dma_start3A_235 = tpu.memref_slice %arg6[%mul3A_233] : memref<204800xi32, #tpu.memory_space<vmem_shared>> -> memref<4096xi32, #tpu.memory_space<vmem_shared>>
      tpu.enqueue_dma source(%dma_start3A_235 : memref<4096xi32, #tpu.memory_space<vmem_shared>>) target(%arg8 : memref<4096xi32, #tpu.memory_space<vmem>>) target_semaphore(%arg12 : memref<!tpu.dma_semaphore, #tpu.memory_space<semaphore_mem>>)
      %ge3A = arith.constant 1 : i32
      %ge3A_236 = arith.cmpi sge, %scan3A_220, %ge3A : i32
      %convert_element_type3A_237 = arith.extui %ge3A_236 : i1 to i32
      %cond3A_238 = arith.constant 0 : i32
      %cond3A_239 = arith.cmpi ne, %convert_element_type3A_237, %cond3A_238 : i32
      scf.if %cond3A_239 {
        %sub3A_345 = arith.constant 2 : i32
        %sub3A_346 = arith.subi %add3A_224, %sub3A_345 : i32
        %dma_wait3A_347 = arith.constant 0 : i32
        %dma_wait3A_348 = tpu.memref_slice %arg4[%sub3A_346, %add3A_60, %dma_wait3A_347] : memref<50x64x4096xf32, #tpu.memory_space<hbm>> -> memref<1x1x4096xf32, #tpu.memory_space<hbm>>
        %dma_wait3A_349 = tpu.memref_squeeze %dma_wait3A_348 : memref<1x1x4096xf32, #tpu.memory_space<hbm>> -> memref<4096xf32, #tpu.memory_space<hbm>>
        %dma_wait3A_350 = arith.constant 0 : i32
        %dma_wait3A_351 = tpu.memref_slice %arg4[%sub3A_346, %add3A_60, %dma_wait3A_350] : memref<50x64x4096xf32, #tpu.memory_space<hbm>> -> memref<1x1x4096xf32, #tpu.memory_space<hbm>>
        %dma_wait3A_352 = tpu.memref_squeeze %dma_wait3A_351 : memref<1x1x4096xf32, #tpu.memory_space<hbm>> -> memref<4096xf32, #tpu.memory_space<hbm>>
        tpu.wait_dma2 semaphore(%arg13 : memref<!tpu.dma_semaphore, #tpu.memory_space<semaphore_mem>>) src(%arg9 : memref<4096xf32, #tpu.memory_space<vmem>>) dst(%dma_wait3A_352 : memref<4096xf32, #tpu.memory_space<hbm>>)
      } else {
      }
      %parallel_loop3A_240 = arith.constant 0 : i32
      %parallel_loop3A_241 = arith.constant 4096 : i32
      %parallel_loop3A_242 = arith.constant 16 : i32
      scf.for %parallel_loop3A_345 = %parallel_loop3A_240 to %parallel_loop3A_241 step %parallel_loop3A_242  : i32 {
        %parallel_loop3A_346 = arith.index_cast %parallel_loop3A_345 : i32 to index
        %parallel_loop3A_347 = tpu.vector_load %arg7[%parallel_loop3A_346] {strides = array<i32>} : memref<4096xi32, #tpu.memory_space<vmem>>, vector<16xi32>,
        %parallel_loop3A_348 = tpu.vector_load_idx %arg5[%parallel_loop3A_347] : memref<100000xf32, #tpu.memory_space<vmem>>[vector<16xi32>], vector<16xf32>,
        %parallel_loop3A_349 = arith.index_cast %parallel_loop3A_345 : i32 to index
        %parallel_loop3A_350 = tpu.vector_load %arg9[%parallel_loop3A_349] {strides = array<i32>} : memref<4096xf32, #tpu.memory_space<vmem>>, vector<16xf32>,
        tpu.vector_store %arg9[%parallel_loop3A_349], %parallel_loop3A_348 {strides = array<i32>} : memref<4096xf32, #tpu.memory_space<vmem>>, vector<16xf32>,
      } {sc.loop_unroll_factor = 8 : i64, sc.parallel_access}
      %dma_start3A_243 = arith.constant 0 : i32
      %dma_start3A_244 = tpu.memref_slice %arg4[%add3A_224, %add3A_60, %dma_start3A_243] : memref<50x64x4096xf32, #tpu.memory_space<hbm>> -> memref<1x1x4096xf32, #tpu.memory_space<hbm>>
      %dma_start3A_245 = tpu.memref_squeeze %dma_start3A_244 : memref<1x1x4096xf32, #tpu.memory_space<hbm>> -> memref<4096xf32, #tpu.memory_space<hbm>>
      %dma_start3A_246 = arith.constant 0 : i32
      %dma_start3A_247 = tpu.memref_slice %arg4[%add3A_224, %add3A_60, %dma_start3A_246] : memref<50x64x4096xf32, #tpu.memory_space<hbm>> -> memref<1x1x4096xf32, #tpu.memory_space<hbm>>
      %dma_start3A_248 = tpu.memref_squeeze %dma_start3A_247 : memref<1x1x4096xf32, #tpu.memory_space<hbm>> -> memref<4096xf32, #tpu.memory_space<hbm>>
      tpu.enqueue_dma source(%arg9 : memref<4096xf32, #tpu.memory_space<vmem>>) target(%dma_start3A_248 : memref<4096xf32, #tpu.memory_space<hbm>>) target_semaphore(%arg13 : memref<!tpu.dma_semaphore, #tpu.memory_space<semaphore_mem>>)
      %mul3A_249 = arith.constant 4 : i32
      %mul3A_250 = arith.muli %scan3A_220, %mul3A_249 : i32
      %add3A_251 = arith.constant 1 : i32
      %add3A_252 = arith.addi %mul3A_250, %add3A_251 : i32
      %mul3A_253 = arith.constant 4096 : i32
      %mul3A_254 = arith.muli %add3A_252, %mul3A_253 : i32
      %dma_wait3A_255 = tpu.memref_slice %arg6[%mul3A_254] : memref<204800xi32, #tpu.memory_space<vmem_shared>> -> memref<4096xi32, #tpu.memory_space<vmem_shared>>
      %dma_wait3A_256 = tpu.memref_slice %arg6[%mul3A_254] : memref<204800xi32, #tpu.memory_space<vmem_shared>> -> memref<4096xi32, #tpu.memory_space<vmem_shared>>
      tpu.wait_dma2 semaphore(%arg12 : memref<!tpu.dma_semaphore, #tpu.memory_space<semaphore_mem>>) src(%dma_wait3A_256 : memref<4096xi32, #tpu.memory_space<vmem_shared>>) dst(%arg8 : memref<4096xi32, #tpu.memory_space<vmem>>)
      %add3A_257 = arith.constant 2 : i32
      %add3A_258 = arith.addi %add3A_252, %add3A_257 : i32
      %sub3A_259 = arith.constant 1 : i32
      %sub3A_260 = arith.subi %add3A_258, %sub3A_259 : i32
      %mul3A_261 = arith.constant 4096 : i32
      %mul3A_262 = arith.muli %sub3A_260, %mul3A_261 : i32
      %dma_start3A_263 = tpu.memref_slice %arg6[%mul3A_262] : memref<204800xi32, #tpu.memory_space<vmem_shared>> -> memref<4096xi32, #tpu.memory_space<vmem_shared>>
      %dma_start3A_264 = tpu.memref_slice %arg6[%mul3A_262] : memref<204800xi32, #tpu.memory_space<vmem_shared>> -> memref<4096xi32, #tpu.memory_space<vmem_shared>>
      tpu.enqueue_dma source(%dma_start3A_264 : memref<4096xi32, #tpu.memory_space<vmem_shared>>) target(%arg7 : memref<4096xi32, #tpu.memory_space<vmem>>) target_semaphore(%arg11 : memref<!tpu.dma_semaphore, #tpu.memory_space<semaphore_mem>>)
      %ge3A_265 = arith.constant 1 : i32
      %ge3A_266 = arith.cmpi sge, %scan3A_220, %ge3A_265 : i32
      %convert_element_type3A_267 = arith.extui %ge3A_266 : i1 to i32
      %cond3A_268 = arith.constant 0 : i32
      %cond3A_269 = arith.cmpi ne, %convert_element_type3A_267, %cond3A_268 : i32
      scf.if %cond3A_269 {
        %sub3A_345 = arith.constant 2 : i32
        %sub3A_346 = arith.subi %add3A_252, %sub3A_345 : i32
        %dma_wait3A_347 = arith.constant 0 : i32
        %dma_wait3A_348 = tpu.memref_slice %arg4[%sub3A_346, %add3A_60, %dma_wait3A_347] : memref<50x64x4096xf32, #tpu.memory_space<hbm>> -> memref<1x1x4096xf32, #tpu.memory_space<hbm>>
        %dma_wait3A_349 = tpu.memref_squeeze %dma_wait3A_348 : memref<1x1x4096xf32, #tpu.memory_space<hbm>> -> memref<4096xf32, #tpu.memory_space<hbm>>
        %dma_wait3A_350 = arith.constant 0 : i32
        %dma_wait3A_351 = tpu.memref_slice %arg4[%sub3A_346, %add3A_60, %dma_wait3A_350] : memref<50x64x4096xf32, #tpu.memory_space<hbm>> -> memref<1x1x4096xf32, #tpu.memory_space<hbm>>
        %dma_wait3A_352 = tpu.memref_squeeze %dma_wait3A_351 : memref<1x1x4096xf32, #tpu.memory_space<hbm>> -> memref<4096xf32, #tpu.memory_space<hbm>>
        tpu.wait_dma2 semaphore(%arg14 : memref<!tpu.dma_semaphore, #tpu.memory_space<semaphore_mem>>) src(%arg10 : memref<4096xf32, #tpu.memory_space<vmem>>) dst(%dma_wait3A_352 : memref<4096xf32, #tpu.memory_space<hbm>>)
      } else {
      }
      %parallel_loop3A_270 = arith.constant 0 : i32
      %parallel_loop3A_271 = arith.constant 4096 : i32
      %parallel_loop3A_272 = arith.constant 16 : i32
      scf.for %parallel_loop3A_345 = %parallel_loop3A_270 to %parallel_loop3A_271 step %parallel_loop3A_272  : i32 {
        %parallel_loop3A_346 = arith.index_cast %parallel_loop3A_345 : i32 to index
        %parallel_loop3A_347 = tpu.vector_load %arg8[%parallel_loop3A_346] {strides = array<i32>} : memref<4096xi32, #tpu.memory_space<vmem>>, vector<16xi32>,
        %parallel_loop3A_348 = tpu.vector_load_idx %arg5[%parallel_loop3A_347] : memref<100000xf32, #tpu.memory_space<vmem>>[vector<16xi32>], vector<16xf32>,
        %parallel_loop3A_349 = arith.index_cast %parallel_loop3A_345 : i32 to index
        %parallel_loop3A_350 = tpu.vector_load %arg10[%parallel_loop3A_349] {strides = array<i32>} : memref<4096xf32, #tpu.memory_space<vmem>>, vector<16xf32>,
        tpu.vector_store %arg10[%parallel_loop3A_349], %parallel_loop3A_348 {strides = array<i32>} : memref<4096xf32, #tpu.memory_space<vmem>>, vector<16xf32>,
      } {sc.loop_unroll_factor = 8 : i64, sc.parallel_access}
      %dma_start3A_273 = arith.constant 0 : i32
      %dma_start3A_274 = tpu.memref_slice %arg4[%add3A_252, %add3A_60, %dma_start3A_273] : memref<50x64x4096xf32, #tpu.memory_space<hbm>> -> memref<1x1x4096xf32, #tpu.memory_space<hbm>>
      %dma_start3A_275 = tpu.memref_squeeze %dma_start3A_274 : memref<1x1x4096xf32, #tpu.memory_space<hbm>> -> memref<4096xf32, #tpu.memory_space<hbm>>
      %dma_start3A_276 = arith.constant 0 : i32
      %dma_start3A_277 = tpu.memref_slice %arg4[%add3A_252, %add3A_60, %dma_start3A_276] : memref<50x64x4096xf32, #tpu.memory_space<hbm>> -> memref<1x1x4096xf32, #tpu.memory_space<hbm>>
      %dma_start3A_278 = tpu.memref_squeeze %dma_start3A_277 : memref<1x1x4096xf32, #tpu.memory_space<hbm>> -> memref<4096xf32, #tpu.memory_space<hbm>>
      tpu.enqueue_dma source(%arg10 : memref<4096xf32, #tpu.memory_space<vmem>>) target(%dma_start3A_278 : memref<4096xf32, #tpu.memory_space<hbm>>) target_semaphore(%arg14 : memref<!tpu.dma_semaphore, #tpu.memory_space<semaphore_mem>>)
      %mul3A_279 = arith.constant 4 : i32
      %mul3A_280 = arith.muli %scan3A_220, %mul3A_279 : i32
      %add3A_281 = arith.constant 2 : i32
      %add3A_282 = arith.addi %mul3A_280, %add3A_281 : i32
      %mul3A_283 = arith.constant 4096 : i32
      %mul3A_284 = arith.muli %add3A_282, %mul3A_283 : i32
      %dma_wait3A_285 = tpu.memref_slice %arg6[%mul3A_284] : memref<204800xi32, #tpu.memory_space<vmem_shared>> -> memref<4096xi32, #tpu.memory_space<vmem_shared>>
      %dma_wait3A_286 = tpu.memref_slice %arg6[%mul3A_284] : memref<204800xi32, #tpu.memory_space<vmem_shared>> -> memref<4096xi32, #tpu.memory_space<vmem_shared>>
      tpu.wait_dma2 semaphore(%arg11 : memref<!tpu.dma_semaphore, #tpu.memory_space<semaphore_mem>>) src(%dma_wait3A_286 : memref<4096xi32, #tpu.memory_space<vmem_shared>>) dst(%arg7 : memref<4096xi32, #tpu.memory_space<vmem>>)
      %add3A_287 = arith.constant 2 : i32
      %add3A_288 = arith.addi %add3A_282, %add3A_287 : i32
      %sub3A_289 = arith.constant 1 : i32
      %sub3A_290 = arith.subi %add3A_288, %sub3A_289 : i32
      %mul3A_291 = arith.constant 4096 : i32
      %mul3A_292 = arith.muli %sub3A_290, %mul3A_291 : i32
      %dma_start3A_293 = tpu.memref_slice %arg6[%mul3A_292] : memref<204800xi32, #tpu.memory_space<vmem_shared>> -> memref<4096xi32, #tpu.memory_space<vmem_shared>>
      %dma_start3A_294 = tpu.memref_slice %arg6[%mul3A_292] : memref<204800xi32, #tpu.memory_space<vmem_shared>> -> memref<4096xi32, #tpu.memory_space<vmem_shared>>
      tpu.enqueue_dma source(%dma_start3A_294 : memref<4096xi32, #tpu.memory_space<vmem_shared>>) target(%arg8 : memref<4096xi32, #tpu.memory_space<vmem>>) target_semaphore(%arg12 : memref<!tpu.dma_semaphore, #tpu.memory_space<semaphore_mem>>)
      %sub3A_295 = arith.constant 2 : i32
      %sub3A_296 = arith.subi %add3A_282, %sub3A_295 : i32
      %dma_wait3A_297 = arith.constant 0 : i32
      %dma_wait3A_298 = tpu.memref_slice %arg4[%sub3A_296, %add3A_60, %dma_wait3A_297] : memref<50x64x4096xf32, #tpu.memory_space<hbm>> -> memref<1x1x4096xf32, #tpu.memory_space<hbm>>
      %dma_wait3A_299 = tpu.memref_squeeze %dma_wait3A_298 : memref<1x1x4096xf32, #tpu.memory_space<hbm>> -> memref<4096xf32, #tpu.memory_space<hbm>>
      %dma_wait3A_300 = arith.constant 0 : i32
      %dma_wait3A_301 = tpu.memref_slice %arg4[%sub3A_296, %add3A_60, %dma_wait3A_300] : memref<50x64x4096xf32, #tpu.memory_space<hbm>> -> memref<1x1x4096xf32, #tpu.memory_space<hbm>>
      %dma_wait3A_302 = tpu.memref_squeeze %dma_wait3A_301 : memref<1x1x4096xf32, #tpu.memory_space<hbm>> -> memref<4096xf32, #tpu.memory_space<hbm>>
      tpu.wait_dma2 semaphore(%arg13 : memref<!tpu.dma_semaphore, #tpu.memory_space<semaphore_mem>>) src(%arg9 : memref<4096xf32, #tpu.memory_space<vmem>>) dst(%dma_wait3A_302 : memref<4096xf32, #tpu.memory_space<hbm>>)
      %parallel_loop3A_303 = arith.constant 0 : i32
      %parallel_loop3A_304 = arith.constant 4096 : i32
      %parallel_loop3A_305 = arith.constant 16 : i32
      scf.for %parallel_loop3A_345 = %parallel_loop3A_303 to %parallel_loop3A_304 step %parallel_loop3A_305  : i32 {
        %parallel_loop3A_346 = arith.index_cast %parallel_loop3A_345 : i32 to index
        %parallel_loop3A_347 = tpu.vector_load %arg7[%parallel_loop3A_346] {strides = array<i32>} : memref<4096xi32, #tpu.memory_space<vmem>>, vector<16xi32>,
        %parallel_loop3A_348 = tpu.vector_load_idx %arg5[%parallel_loop3A_347] : memref<100000xf32, #tpu.memory_space<vmem>>[vector<16xi32>], vector<16xf32>,
        %parallel_loop3A_349 = arith.index_cast %parallel_loop3A_345 : i32 to index
        %parallel_loop3A_350 = tpu.vector_load %arg9[%parallel_loop3A_349] {strides = array<i32>} : memref<4096xf32, #tpu.memory_space<vmem>>, vector<16xf32>,
        tpu.vector_store %arg9[%parallel_loop3A_349], %parallel_loop3A_348 {strides = array<i32>} : memref<4096xf32, #tpu.memory_space<vmem>>, vector<16xf32>,
      } {sc.loop_unroll_factor = 8 : i64, sc.parallel_access}
      %dma_start3A_306 = arith.constant 0 : i32
      %dma_start3A_307 = tpu.memref_slice %arg4[%add3A_282, %add3A_60, %dma_start3A_306] : memref<50x64x4096xf32, #tpu.memory_space<hbm>> -> memref<1x1x4096xf32, #tpu.memory_space<hbm>>
      %dma_start3A_308 = tpu.memref_squeeze %dma_start3A_307 : memref<1x1x4096xf32, #tpu.memory_space<hbm>> -> memref<4096xf32, #tpu.memory_space<hbm>>
      %dma_start3A_309 = arith.constant 0 : i32
      %dma_start3A_310 = tpu.memref_slice %arg4[%add3A_282, %add3A_60, %dma_start3A_309] : memref<50x64x4096xf32, #tpu.memory_space<hbm>> -> memref<1x1x4096xf32, #tpu.memory_space<hbm>>
      %dma_start3A_311 = tpu.memref_squeeze %dma_start3A_310 : memref<1x1x4096xf32, #tpu.memory_space<hbm>> -> memref<4096xf32, #tpu.memory_space<hbm>>
      tpu.enqueue_dma source(%arg9 : memref<4096xf32, #tpu.memory_space<vmem>>) target(%dma_start3A_311 : memref<4096xf32, #tpu.memory_space<hbm>>) target_semaphore(%arg13 : memref<!tpu.dma_semaphore, #tpu.memory_space<semaphore_mem>>)
      %mul3A_312 = arith.constant 4 : i32
      %mul3A_313 = arith.muli %scan3A_220, %mul3A_312 : i32
      %add3A_314 = arith.constant 3 : i32
      %add3A_315 = arith.addi %mul3A_313, %add3A_314 : i32
      %mul3A_316 = arith.constant 4096 : i32
      %mul3A_317 = arith.muli %add3A_315, %mul3A_316 : i32
      %dma_wait3A_318 = tpu.memref_slice %arg6[%mul3A_317] : memref<204800xi32, #tpu.memory_space<vmem_shared>> -> memref<4096xi32, #tpu.memory_space<vmem_shared>>
      %dma_wait3A_319 = tpu.memref_slice %arg6[%mul3A_317] : memref<204800xi32, #tpu.memory_space<vmem_shared>> -> memref<4096xi32, #tpu.memory_space<vmem_shared>>
      tpu.wait_dma2 semaphore(%arg12 : memref<!tpu.dma_semaphore, #tpu.memory_space<semaphore_mem>>) src(%dma_wait3A_319 : memref<4096xi32, #tpu.memory_space<vmem_shared>>) dst(%arg8 : memref<4096xi32, #tpu.memory_space<vmem>>)
      %add3A_320 = arith.constant 2 : i32
      %add3A_321 = arith.addi %add3A_315, %add3A_320 : i32
      %sub3A_322 = arith.constant 1 : i32
      %sub3A_323 = arith.subi %add3A_321, %sub3A_322 : i32
      %mul3A_324 = arith.constant 4096 : i32
      %mul3A_325 = arith.muli %sub3A_323, %mul3A_324 : i32
      %dma_start3A_326 = tpu.memref_slice %arg6[%mul3A_325] : memref<204800xi32, #tpu.memory_space<vmem_shared>> -> memref<4096xi32, #tpu.memory_space<vmem_shared>>
      %dma_start3A_327 = tpu.memref_slice %arg6[%mul3A_325] : memref<204800xi32, #tpu.memory_space<vmem_shared>> -> memref<4096xi32, #tpu.memory_space<vmem_shared>>
      tpu.enqueue_dma source(%dma_start3A_327 : memref<4096xi32, #tpu.memory_space<vmem_shared>>) target(%arg7 : memref<4096xi32, #tpu.memory_space<vmem>>) target_semaphore(%arg11 : memref<!tpu.dma_semaphore, #tpu.memory_space<semaphore_mem>>)
      %sub3A_328 = arith.constant 2 : i32
      %sub3A_329 = arith.subi %add3A_315, %sub3A_328 : i32
      %dma_wait3A_330 = arith.constant 0 : i32
      %dma_wait3A_331 = tpu.memref_slice %arg4[%sub3A_329, %add3A_60, %dma_wait3A_330] : memref<50x64x4096xf32, #tpu.memory_space<hbm>> -> memref<1x1x4096xf32, #tpu.memory_space<hbm>>
      %dma_wait3A_332 = tpu.memref_squeeze %dma_wait3A_331 : memref<1x1x4096xf32, #tpu.memory_space<hbm>> -> memref<4096xf32, #tpu.memory_space<hbm>>
      %dma_wait3A_333 = arith.constant 0 : i32
      %dma_wait3A_334 = tpu.memref_slice %arg4[%sub3A_329, %add3A_60, %dma_wait3A_333] : memref<50x64x4096xf32, #tpu.memory_space<hbm>> -> memref<1x1x4096xf32, #tpu.memory_space<hbm>>
      %dma_wait3A_335 = tpu.memref_squeeze %dma_wait3A_334 : memref<1x1x4096xf32, #tpu.memory_space<hbm>> -> memref<4096xf32, #tpu.memory_space<hbm>>
      tpu.wait_dma2 semaphore(%arg14 : memref<!tpu.dma_semaphore, #tpu.memory_space<semaphore_mem>>) src(%arg10 : memref<4096xf32, #tpu.memory_space<vmem>>) dst(%dma_wait3A_335 : memref<4096xf32, #tpu.memory_space<hbm>>)
      %parallel_loop3A_336 = arith.constant 0 : i32
      %parallel_loop3A_337 = arith.constant 4096 : i32
      %parallel_loop3A_338 = arith.constant 16 : i32
      scf.for %parallel_loop3A_345 = %parallel_loop3A_336 to %parallel_loop3A_337 step %parallel_loop3A_338  : i32 {
        %parallel_loop3A_346 = arith.index_cast %parallel_loop3A_345 : i32 to index
        %parallel_loop3A_347 = tpu.vector_load %arg8[%parallel_loop3A_346] {strides = array<i32>} : memref<4096xi32, #tpu.memory_space<vmem>>, vector<16xi32>,
        %parallel_loop3A_348 = tpu.vector_load_idx %arg5[%parallel_loop3A_347] : memref<100000xf32, #tpu.memory_space<vmem>>[vector<16xi32>], vector<16xf32>,
        %parallel_loop3A_349 = arith.index_cast %parallel_loop3A_345 : i32 to index
        %parallel_loop3A_350 = tpu.vector_load %arg10[%parallel_loop3A_349] {strides = array<i32>} : memref<4096xf32, #tpu.memory_space<vmem>>, vector<16xf32>,
        tpu.vector_store %arg10[%parallel_loop3A_349], %parallel_loop3A_348 {strides = array<i32>} : memref<4096xf32, #tpu.memory_space<vmem>>, vector<16xf32>,
      } {sc.loop_unroll_factor = 8 : i64, sc.parallel_access}
      %dma_start3A_339 = arith.constant 0 : i32
      %dma_start3A_340 = tpu.memref_slice %arg4[%add3A_315, %add3A_60, %dma_start3A_339] : memref<50x64x4096xf32, #tpu.memory_space<hbm>> -> memref<1x1x4096xf32, #tpu.memory_space<hbm>>
      %dma_start3A_341 = tpu.memref_squeeze %dma_start3A_340 : memref<1x1x4096xf32, #tpu.memory_space<hbm>> -> memref<4096xf32, #tpu.memory_space<hbm>>
      %dma_start3A_342 = arith.constant 0 : i32
      %dma_start3A_343 = tpu.memref_slice %arg4[%add3A_315, %add3A_60, %dma_start3A_342] : memref<50x64x4096xf32, #tpu.memory_space<hbm>> -> memref<1x1x4096xf32, #tpu.memory_space<hbm>>
      %dma_start3A_344 = tpu.memref_squeeze %dma_start3A_343 : memref<1x1x4096xf32, #tpu.memory_space<hbm>> -> memref<4096xf32, #tpu.memory_space<hbm>>
      tpu.enqueue_dma source(%arg10 : memref<4096xf32, #tpu.memory_space<vmem>>) target(%dma_start3A_344 : memref<4096xf32, #tpu.memory_space<hbm>>) target_semaphore(%arg14 : memref<!tpu.dma_semaphore, #tpu.memory_space<semaphore_mem>>)
    }
    %scan3A_76 = arith.constant 12 : i32
    %dma_wait3A_77 = arith.constant 196608 : i32
    %dma_wait3A_78 = tpu.memref_slice %arg6[%dma_wait3A_77] : memref<204800xi32, #tpu.memory_space<vmem_shared>> -> memref<4096xi32, #tpu.memory_space<vmem_shared>>
    %dma_wait3A_79 = arith.constant 196608 : i32
    %dma_wait3A_80 = tpu.memref_slice %arg6[%dma_wait3A_79] : memref<204800xi32, #tpu.memory_space<vmem_shared>> -> memref<4096xi32, #tpu.memory_space<vmem_shared>>
    tpu.wait_dma2 semaphore(%arg11 : memref<!tpu.dma_semaphore, #tpu.memory_space<semaphore_mem>>) src(%dma_wait3A_80 : memref<4096xi32, #tpu.memory_space<vmem_shared>>) dst(%arg7 : memref<4096xi32, #tpu.memory_space<vmem>>)
    %dma_start3A_81 = arith.constant 200704 : i32
    %dma_start3A_82 = tpu.memref_slice %arg6[%dma_start3A_81] : memref<204800xi32, #tpu.memory_space<vmem_shared>> -> memref<4096xi32, #tpu.memory_space<vmem_shared>>
    %dma_start3A_83 = arith.constant 200704 : i32
    %dma_start3A_84 = tpu.memref_slice %arg6[%dma_start3A_83] : memref<204800xi32, #tpu.memory_space<vmem_shared>> -> memref<4096xi32, #tpu.memory_space<vmem_shared>>
    tpu.enqueue_dma source(%dma_start3A_84 : memref<4096xi32, #tpu.memory_space<vmem_shared>>) target(%arg8 : memref<4096xi32, #tpu.memory_space<vmem>>) target_semaphore(%arg12 : memref<!tpu.dma_semaphore, #tpu.memory_space<semaphore_mem>>)
    %dma_wait3A_85 = arith.constant 46 : i32
    %dma_wait3A_86 = arith.constant 0 : i32
    %dma_wait3A_87 = tpu.memref_slice %arg4[%dma_wait3A_85, %add3A_60, %dma_wait3A_86] : memref<50x64x4096xf32, #tpu.memory_space<hbm>> -> memref<1x1x4096xf32, #tpu.memory_space<hbm>>
    %dma_wait3A_88 = tpu.memref_squeeze %dma_wait3A_87 : memref<1x1x4096xf32, #tpu.memory_space<hbm>> -> memref<4096xf32, #tpu.memory_space<hbm>>
    %dma_wait3A_89 = arith.constant 0 : i32
    %dma_wait3A_90 = tpu.memref_slice %arg4[%dma_wait3A_85, %add3A_60, %dma_wait3A_89] : memref<50x64x4096xf32, #tpu.memory_space<hbm>> -> memref<1x1x4096xf32, #tpu.memory_space<hbm>>
    %dma_wait3A_91 = tpu.memref_squeeze %dma_wait3A_90 : memref<1x1x4096xf32, #tpu.memory_space<hbm>> -> memref<4096xf32, #tpu.memory_space<hbm>>
    tpu.wait_dma2 semaphore(%arg13 : memref<!tpu.dma_semaphore, #tpu.memory_space<semaphore_mem>>) src(%arg9 : memref<4096xf32, #tpu.memory_space<vmem>>) dst(%dma_wait3A_91 : memref<4096xf32, #tpu.memory_space<hbm>>)
    %parallel_loop3A = arith.constant 0 : i32
    %parallel_loop3A_92 = arith.constant 4096 : i32
    %parallel_loop3A_93 = arith.constant 16 : i32
    scf.for %parallel_loop3A_220 = %parallel_loop3A to %parallel_loop3A_92 step %parallel_loop3A_93  : i32 {
      %parallel_loop3A_221 = arith.index_cast %parallel_loop3A_220 : i32 to index
      %parallel_loop3A_222 = tpu.vector_load %arg7[%parallel_loop3A_221] {strides = array<i32>} : memref<4096xi32, #tpu.memory_space<vmem>>, vector<16xi32>,
      %parallel_loop3A_223 = tpu.vector_load_idx %arg5[%parallel_loop3A_222] : memref<100000xf32, #tpu.memory_space<vmem>>[vector<16xi32>], vector<16xf32>,
      %parallel_loop3A_224 = arith.index_cast %parallel_loop3A_220 : i32 to index
      %parallel_loop3A_225 = tpu.vector_load %arg9[%parallel_loop3A_224] {strides = array<i32>} : memref<4096xf32, #tpu.memory_space<vmem>>, vector<16xf32>,
      tpu.vector_store %arg9[%parallel_loop3A_224], %parallel_loop3A_223 {strides = array<i32>} : memref<4096xf32, #tpu.memory_space<vmem>>, vector<16xf32>,
    } {sc.loop_unroll_factor = 8 : i64, sc.parallel_access}
    %dma_start3A_94 = arith.constant 48 : i32
    %dma_start3A_95 = arith.constant 0 : i32
    %dma_start3A_96 = tpu.memref_slice %arg4[%dma_start3A_94, %add3A_60, %dma_start3A_95] : memref<50x64x4096xf32, #tpu.memory_space<hbm>> -> memref<1x1x4096xf32, #tpu.memory_space<hbm>>
    %dma_start3A_97 = tpu.memref_squeeze %dma_start3A_96 : memref<1x1x4096xf32, #tpu.memory_space<hbm>> -> memref<4096xf32, #tpu.memory_space<hbm>>
    %dma_start3A_98 = arith.constant 0 : i32
    %dma_start3A_99 = tpu.memref_slice %arg4[%dma_start3A_94, %add3A_60, %dma_start3A_98] : memref<50x64x4096xf32, #tpu.memory_space<hbm>> -> memref<1x1x4096xf32, #tpu.memory_space<hbm>>
    %dma_start3A_100 = tpu.memref_squeeze %dma_start3A_99 : memref<1x1x4096xf32, #tpu.memory_space<hbm>> -> memref<4096xf32, #tpu.memory_space<hbm>>
    tpu.enqueue_dma source(%arg9 : memref<4096xf32, #tpu.memory_space<vmem>>) target(%dma_start3A_100 : memref<4096xf32, #tpu.memory_space<hbm>>) target_semaphore(%arg13 : memref<!tpu.dma_semaphore, #tpu.memory_space<semaphore_mem>>)
    %dma_wait3A_101 = arith.constant 200704 : i32
    %dma_wait3A_102 = tpu.memref_slice %arg6[%dma_wait3A_101] : memref<204800xi32, #tpu.memory_space<vmem_shared>> -> memref<4096xi32, #tpu.memory_space<vmem_shared>>
    %dma_wait3A_103 = arith.constant 200704 : i32
    %dma_wait3A_104 = tpu.memref_slice %arg6[%dma_wait3A_103] : memref<204800xi32, #tpu.memory_space<vmem_shared>> -> memref<4096xi32, #tpu.memory_space<vmem_shared>>
    tpu.wait_dma2 semaphore(%arg12 : memref<!tpu.dma_semaphore, #tpu.memory_space<semaphore_mem>>) src(%dma_wait3A_104 : memref<4096xi32, #tpu.memory_space<vmem_shared>>) dst(%arg8 : memref<4096xi32, #tpu.memory_space<vmem>>)
    %dma_wait3A_105 = arith.constant 47 : i32
    %dma_wait3A_106 = arith.constant 0 : i32
    %dma_wait3A_107 = tpu.memref_slice %arg4[%dma_wait3A_105, %add3A_60, %dma_wait3A_106] : memref<50x64x4096xf32, #tpu.memory_space<hbm>> -> memref<1x1x4096xf32, #tpu.memory_space<hbm>>
    %dma_wait3A_108 = tpu.memref_squeeze %dma_wait3A_107 : memref<1x1x4096xf32, #tpu.memory_space<hbm>> -> memref<4096xf32, #tpu.memory_space<hbm>>
    %dma_wait3A_109 = arith.constant 0 : i32
    %dma_wait3A_110 = tpu.memref_slice %arg4[%dma_wait3A_105, %add3A_60, %dma_wait3A_109] : memref<50x64x4096xf32, #tpu.memory_space<hbm>> -> memref<1x1x4096xf32, #tpu.memory_space<hbm>>
    %dma_wait3A_111 = tpu.memref_squeeze %dma_wait3A_110 : memref<1x1x4096xf32, #tpu.memory_space<hbm>> -> memref<4096xf32, #tpu.memory_space<hbm>>
    tpu.wait_dma2 semaphore(%arg14 : memref<!tpu.dma_semaphore, #tpu.memory_space<semaphore_mem>>) src(%arg10 : memref<4096xf32, #tpu.memory_space<vmem>>) dst(%dma_wait3A_111 : memref<4096xf32, #tpu.memory_space<hbm>>)
    %parallel_loop3A_112 = arith.constant 0 : i32
    %parallel_loop3A_113 = arith.constant 4096 : i32
    %parallel_loop3A_114 = arith.constant 16 : i32
    scf.for %parallel_loop3A_220 = %parallel_loop3A_112 to %parallel_loop3A_113 step %parallel_loop3A_114  : i32 {
      %parallel_loop3A_221 = arith.index_cast %parallel_loop3A_220 : i32 to index
      %parallel_loop3A_222 = tpu.vector_load %arg8[%parallel_loop3A_221] {strides = array<i32>} : memref<4096xi32, #tpu.memory_space<vmem>>, vector<16xi32>,
      %parallel_loop3A_223 = tpu.vector_load_idx %arg5[%parallel_loop3A_222] : memref<100000xf32, #tpu.memory_space<vmem>>[vector<16xi32>], vector<16xf32>,
      %parallel_loop3A_224 = arith.index_cast %parallel_loop3A_220 : i32 to index
      %parallel_loop3A_225 = tpu.vector_load %arg10[%parallel_loop3A_224] {strides = array<i32>} : memref<4096xf32, #tpu.memory_space<vmem>>, vector<16xf32>,
      tpu.vector_store %arg10[%parallel_loop3A_224], %parallel_loop3A_223 {strides = array<i32>} : memref<4096xf32, #tpu.memory_space<vmem>>, vector<16xf32>,
    } {sc.loop_unroll_factor = 8 : i64, sc.parallel_access}
    %dma_start3A_115 = arith.constant 49 : i32
    %dma_start3A_116 = arith.constant 0 : i32
    %dma_start3A_117 = tpu.memref_slice %arg4[%dma_start3A_115, %add3A_60, %dma_start3A_116] : memref<50x64x4096xf32, #tpu.memory_space<hbm>> -> memref<1x1x4096xf32, #tpu.memory_space<hbm>>
    %dma_start3A_118 = tpu.memref_squeeze %dma_start3A_117 : memref<1x1x4096xf32, #tpu.memory_space<hbm>> -> memref<4096xf32, #tpu.memory_space<hbm>>
    %dma_start3A_119 = arith.constant 0 : i32
    %dma_start3A_120 = tpu.memref_slice %arg4[%dma_start3A_115, %add3A_60, %dma_start3A_119] : memref<50x64x4096xf32, #tpu.memory_space<hbm>> -> memref<1x1x4096xf32, #tpu.memory_space<hbm>>
    %dma_start3A_121 = tpu.memref_squeeze %dma_start3A_120 : memref<1x1x4096xf32, #tpu.memory_space<hbm>> -> memref<4096xf32, #tpu.memory_space<hbm>>
    tpu.enqueue_dma source(%arg10 : memref<4096xf32, #tpu.memory_space<vmem>>) target(%dma_start3A_121 : memref<4096xf32, #tpu.memory_space<hbm>>) target_semaphore(%arg14 : memref<!tpu.dma_semaphore, #tpu.memory_space<semaphore_mem>>)
    %dma_start3A_122 = arith.constant 0 : i32
    %dma_start3A_123 = tpu.memref_slice %arg3[%add3A_62, %dma_start3A_122] : memref<64x100000xf32, #tpu.memory_space<hbm>> -> memref<1x100000xf32, #tpu.memory_space<hbm>>
    %dma_start3A_124 = tpu.memref_squeeze %dma_start3A_123 : memref<1x100000xf32, #tpu.memory_space<hbm>> -> memref<100000xf32, #tpu.memory_space<hbm>>
    %dma_start3A_125 = arith.constant 0 : i32
    %dma_start3A_126 = tpu.memref_slice %arg3[%add3A_62, %dma_start3A_125] : memref<64x100000xf32, #tpu.memory_space<hbm>> -> memref<1x100000xf32, #tpu.memory_space<hbm>>
    %dma_start3A_127 = tpu.memref_squeeze %dma_start3A_126 : memref<1x100000xf32, #tpu.memory_space<hbm>> -> memref<100000xf32, #tpu.memory_space<hbm>>
    tpu.enqueue_dma source(%dma_start3A_127 : memref<100000xf32, #tpu.memory_space<hbm>>) target(%arg5 : memref<100000xf32, #tpu.memory_space<vmem>>) target_semaphore(%arg16 : memref<!tpu.dma_semaphore, #tpu.memory_space<semaphore_mem>>)
    %dma_wait3A_128 = arith.constant 48 : i32
    %dma_wait3A_129 = arith.constant 0 : i32
    %dma_wait3A_130 = tpu.memref_slice %arg4[%dma_wait3A_128, %add3A_60, %dma_wait3A_129] : memref<50x64x4096xf32, #tpu.memory_space<hbm>> -> memref<1x1x4096xf32, #tpu.memory_space<hbm>>
    %dma_wait3A_131 = tpu.memref_squeeze %dma_wait3A_130 : memref<1x1x4096xf32, #tpu.memory_space<hbm>> -> memref<4096xf32, #tpu.memory_space<hbm>>
    %dma_wait3A_132 = arith.constant 0 : i32
    %dma_wait3A_133 = tpu.memref_slice %arg4[%dma_wait3A_128, %add3A_60, %dma_wait3A_132] : memref<50x64x4096xf32, #tpu.memory_space<hbm>> -> memref<1x1x4096xf32, #tpu.memory_space<hbm>>
    %dma_wait3A_134 = tpu.memref_squeeze %dma_wait3A_133 : memref<1x1x4096xf32, #tpu.memory_space<hbm>> -> memref<4096xf32, #tpu.memory_space<hbm>>
    tpu.wait_dma2 semaphore(%arg13 : memref<!tpu.dma_semaphore, #tpu.memory_space<semaphore_mem>>) src(%arg9 : memref<4096xf32, #tpu.memory_space<vmem>>) dst(%dma_wait3A_134 : memref<4096xf32, #tpu.memory_space<hbm>>)
    %dma_wait3A_135 = arith.constant 49 : i32
    %dma_wait3A_136 = arith.constant 0 : i32
    %dma_wait3A_137 = tpu.memref_slice %arg4[%dma_wait3A_135, %add3A_60, %dma_wait3A_136] : memref<50x64x4096xf32, #tpu.memory_space<hbm>> -> memref<1x1x4096xf32, #tpu.memory_space<hbm>>
    %dma_wait3A_138 = tpu.memref_squeeze %dma_wait3A_137 : memref<1x1x4096xf32, #tpu.memory_space<hbm>> -> memref<4096xf32, #tpu.memory_space<hbm>>
    %dma_wait3A_139 = arith.constant 0 : i32
    %dma_wait3A_140 = tpu.memref_slice %arg4[%dma_wait3A_135, %add3A_60, %dma_wait3A_139] : memref<50x64x4096xf32, #tpu.memory_space<hbm>> -> memref<1x1x4096xf32, #tpu.memory_space<hbm>>
    %dma_wait3A_141 = tpu.memref_squeeze %dma_wait3A_140 : memref<1x1x4096xf32, #tpu.memory_space<hbm>> -> memref<4096xf32, #tpu.memory_space<hbm>>
    tpu.wait_dma2 semaphore(%arg14 : memref<!tpu.dma_semaphore, #tpu.memory_space<semaphore_mem>>) src(%arg10 : memref<4096xf32, #tpu.memory_space<vmem>>) dst(%dma_wait3A_141 : memref<4096xf32, #tpu.memory_space<hbm>>)
    %add3A_142 = arith.constant 32 : i32
    %add3A_143 = arith.addi %add3A, %add3A_142 : i32
    %dma_start3A_144 = arith.constant 0 : i32
    %dma_start3A_145 = tpu.memref_slice %arg6[%dma_start3A_144] : memref<204800xi32, #tpu.memory_space<vmem_shared>> -> memref<4096xi32, #tpu.memory_space<vmem_shared>>
    %dma_start3A_146 = arith.constant 0 : i32
    %dma_start3A_147 = tpu.memref_slice %arg6[%dma_start3A_146] : memref<204800xi32, #tpu.memory_space<vmem_shared>> -> memref<4096xi32, #tpu.memory_space<vmem_shared>>
    tpu.enqueue_dma source(%dma_start3A_147 : memref<4096xi32, #tpu.memory_space<vmem_shared>>) target(%arg7 : memref<4096xi32, #tpu.memory_space<vmem>>) target_semaphore(%arg11 : memref<!tpu.dma_semaphore, #tpu.memory_space<semaphore_mem>>)
    %dma_wait3A_148 = arith.constant 0 : i32
    %dma_wait3A_149 = tpu.memref_slice %arg3[%add3A_143, %dma_wait3A_148] : memref<64x100000xf32, #tpu.memory_space<hbm>> -> memref<1x100000xf32, #tpu.memory_space<hbm>>
    %dma_wait3A_150 = tpu.memref_squeeze %dma_wait3A_149 : memref<1x100000xf32, #tpu.memory_space<hbm>> -> memref<100000xf32, #tpu.memory_space<hbm>>
    %dma_wait3A_151 = arith.constant 0 : i32
    %dma_wait3A_152 = tpu.memref_slice %arg3[%add3A_143, %dma_wait3A_151] : memref<64x100000xf32, #tpu.memory_space<hbm>> -> memref<1x100000xf32, #tpu.memory_space<hbm>>
    %dma_wait3A_153 = tpu.memref_squeeze %dma_wait3A_152 : memref<1x100000xf32, #tpu.memory_space<hbm>> -> memref<100000xf32, #tpu.memory_space<hbm>>
    tpu.wait_dma2 semaphore(%arg16 : memref<!tpu.dma_semaphore, #tpu.memory_space<semaphore_mem>>) src(%dma_wait3A_153 : memref<100000xf32, #tpu.memory_space<hbm>>) dst(%arg5 : memref<100000xf32, #tpu.memory_space<vmem>>)
    %scan3A_154 = arith.constant 0 : i32
    %scan3A_155 = arith.constant 0 : i32
    %scan3A_156 = arith.constant 12 : i32
    %scan3A_157 = arith.addi %scan3A_155, %scan3A_156 : i32
    %scan3A_158 = arith.constant 1 : i32
    scf.for %scan3A_220 = %scan3A_155 to %scan3A_157 step %scan3A_158  : i32 {
      %mul3A_221 = arith.constant 4 : i32
      %mul3A_222 = arith.muli %scan3A_220, %mul3A_221 : i32
      %add3A_223 = arith.constant 0 : i32
      %add3A_224 = arith.addi %mul3A_222, %add3A_223 : i32
      %mul3A_225 = arith.constant 4096 : i32
      %mul3A_226 = arith.muli %add3A_224, %mul3A_225 : i32
      %dma_wait3A_227 = tpu.memref_slice %arg6[%mul3A_226] : memref<204800xi32, #tpu.memory_space<vmem_shared>> -> memref<4096xi32, #tpu.memory_space<vmem_shared>>
      %dma_wait3A_228 = tpu.memref_slice %arg6[%mul3A_226] : memref<204800xi32, #tpu.memory_space<vmem_shared>> -> memref<4096xi32, #tpu.memory_space<vmem_shared>>
      tpu.wait_dma2 semaphore(%arg11 : memref<!tpu.dma_semaphore, #tpu.memory_space<semaphore_mem>>) src(%dma_wait3A_228 : memref<4096xi32, #tpu.memory_space<vmem_shared>>) dst(%arg7 : memref<4096xi32, #tpu.memory_space<vmem>>)
      %add3A_229 = arith.constant 2 : i32
      %add3A_230 = arith.addi %add3A_224, %add3A_229 : i32
      %sub3A = arith.constant 1 : i32
      %sub3A_231 = arith.subi %add3A_230, %sub3A : i32
      %mul3A_232 = arith.constant 4096 : i32
      %mul3A_233 = arith.muli %sub3A_231, %mul3A_232 : i32
      %dma_start3A_234 = tpu.memref_slice %arg6[%mul3A_233] : memref<204800xi32, #tpu.memory_space<vmem_shared>> -> memref<4096xi32, #tpu.memory_space<vmem_shared>>
      %dma_start3A_235 = tpu.memref_slice %arg6[%mul3A_233] : memref<204800xi32, #tpu.memory_space<vmem_shared>> -> memref<4096xi32, #tpu.memory_space<vmem_shared>>
      tpu.enqueue_dma source(%dma_start3A_235 : memref<4096xi32, #tpu.memory_space<vmem_shared>>) target(%arg8 : memref<4096xi32, #tpu.memory_space<vmem>>) target_semaphore(%arg12 : memref<!tpu.dma_semaphore, #tpu.memory_space<semaphore_mem>>)
      %ge3A = arith.constant 1 : i32
      %ge3A_236 = arith.cmpi sge, %scan3A_220, %ge3A : i32
      %convert_element_type3A_237 = arith.extui %ge3A_236 : i1 to i32
      %cond3A_238 = arith.constant 0 : i32
      %cond3A_239 = arith.cmpi ne, %convert_element_type3A_237, %cond3A_238 : i32
      scf.if %cond3A_239 {
        %sub3A_345 = arith.constant 2 : i32
        %sub3A_346 = arith.subi %add3A_224, %sub3A_345 : i32
        %dma_wait3A_347 = arith.constant 0 : i32
        %dma_wait3A_348 = tpu.memref_slice %arg4[%sub3A_346, %add3A_143, %dma_wait3A_347] : memref<50x64x4096xf32, #tpu.memory_space<hbm>> -> memref<1x1x4096xf32, #tpu.memory_space<hbm>>
        %dma_wait3A_349 = tpu.memref_squeeze %dma_wait3A_348 : memref<1x1x4096xf32, #tpu.memory_space<hbm>> -> memref<4096xf32, #tpu.memory_space<hbm>>
        %dma_wait3A_350 = arith.constant 0 : i32
        %dma_wait3A_351 = tpu.memref_slice %arg4[%sub3A_346, %add3A_143, %dma_wait3A_350] : memref<50x64x4096xf32, #tpu.memory_space<hbm>> -> memref<1x1x4096xf32, #tpu.memory_space<hbm>>
        %dma_wait3A_352 = tpu.memref_squeeze %dma_wait3A_351 : memref<1x1x4096xf32, #tpu.memory_space<hbm>> -> memref<4096xf32, #tpu.memory_space<hbm>>
        tpu.wait_dma2 semaphore(%arg13 : memref<!tpu.dma_semaphore, #tpu.memory_space<semaphore_mem>>) src(%arg9 : memref<4096xf32, #tpu.memory_space<vmem>>) dst(%dma_wait3A_352 : memref<4096xf32, #tpu.memory_space<hbm>>)
      } else {
      }
      %parallel_loop3A_240 = arith.constant 0 : i32
      %parallel_loop3A_241 = arith.constant 4096 : i32
      %parallel_loop3A_242 = arith.constant 16 : i32
      scf.for %parallel_loop3A_345 = %parallel_loop3A_240 to %parallel_loop3A_241 step %parallel_loop3A_242  : i32 {
        %parallel_loop3A_346 = arith.index_cast %parallel_loop3A_345 : i32 to index
        %parallel_loop3A_347 = tpu.vector_load %arg7[%parallel_loop3A_346] {strides = array<i32>} : memref<4096xi32, #tpu.memory_space<vmem>>, vector<16xi32>,
        %parallel_loop3A_348 = tpu.vector_load_idx %arg5[%parallel_loop3A_347] : memref<100000xf32, #tpu.memory_space<vmem>>[vector<16xi32>], vector<16xf32>,
        %parallel_loop3A_349 = arith.index_cast %parallel_loop3A_345 : i32 to index
        %parallel_loop3A_350 = tpu.vector_load %arg9[%parallel_loop3A_349] {strides = array<i32>} : memref<4096xf32, #tpu.memory_space<vmem>>, vector<16xf32>,
        tpu.vector_store %arg9[%parallel_loop3A_349], %parallel_loop3A_348 {strides = array<i32>} : memref<4096xf32, #tpu.memory_space<vmem>>, vector<16xf32>,
      } {sc.loop_unroll_factor = 8 : i64, sc.parallel_access}
      %dma_start3A_243 = arith.constant 0 : i32
      %dma_start3A_244 = tpu.memref_slice %arg4[%add3A_224, %add3A_143, %dma_start3A_243] : memref<50x64x4096xf32, #tpu.memory_space<hbm>> -> memref<1x1x4096xf32, #tpu.memory_space<hbm>>
      %dma_start3A_245 = tpu.memref_squeeze %dma_start3A_244 : memref<1x1x4096xf32, #tpu.memory_space<hbm>> -> memref<4096xf32, #tpu.memory_space<hbm>>
      %dma_start3A_246 = arith.constant 0 : i32
      %dma_start3A_247 = tpu.memref_slice %arg4[%add3A_224, %add3A_143, %dma_start3A_246] : memref<50x64x4096xf32, #tpu.memory_space<hbm>> -> memref<1x1x4096xf32, #tpu.memory_space<hbm>>
      %dma_start3A_248 = tpu.memref_squeeze %dma_start3A_247 : memref<1x1x4096xf32, #tpu.memory_space<hbm>> -> memref<4096xf32, #tpu.memory_space<hbm>>
      tpu.enqueue_dma source(%arg9 : memref<4096xf32, #tpu.memory_space<vmem>>) target(%dma_start3A_248 : memref<4096xf32, #tpu.memory_space<hbm>>) target_semaphore(%arg13 : memref<!tpu.dma_semaphore, #tpu.memory_space<semaphore_mem>>)
      %mul3A_249 = arith.constant 4 : i32
      %mul3A_250 = arith.muli %scan3A_220, %mul3A_249 : i32
      %add3A_251 = arith.constant 1 : i32
      %add3A_252 = arith.addi %mul3A_250, %add3A_251 : i32
      %mul3A_253 = arith.constant 4096 : i32
      %mul3A_254 = arith.muli %add3A_252, %mul3A_253 : i32
      %dma_wait3A_255 = tpu.memref_slice %arg6[%mul3A_254] : memref<204800xi32, #tpu.memory_space<vmem_shared>> -> memref<4096xi32, #tpu.memory_space<vmem_shared>>
      %dma_wait3A_256 = tpu.memref_slice %arg6[%mul3A_254] : memref<204800xi32, #tpu.memory_space<vmem_shared>> -> memref<4096xi32, #tpu.memory_space<vmem_shared>>
      tpu.wait_dma2 semaphore(%arg12 : memref<!tpu.dma_semaphore, #tpu.memory_space<semaphore_mem>>) src(%dma_wait3A_256 : memref<4096xi32, #tpu.memory_space<vmem_shared>>) dst(%arg8 : memref<4096xi32, #tpu.memory_space<vmem>>)
      %add3A_257 = arith.constant 2 : i32
      %add3A_258 = arith.addi %add3A_252, %add3A_257 : i32
      %sub3A_259 = arith.constant 1 : i32
      %sub3A_260 = arith.subi %add3A_258, %sub3A_259 : i32
      %mul3A_261 = arith.constant 4096 : i32
      %mul3A_262 = arith.muli %sub3A_260, %mul3A_261 : i32
      %dma_start3A_263 = tpu.memref_slice %arg6[%mul3A_262] : memref<204800xi32, #tpu.memory_space<vmem_shared>> -> memref<4096xi32, #tpu.memory_space<vmem_shared>>
      %dma_start3A_264 = tpu.memref_slice %arg6[%mul3A_262] : memref<204800xi32, #tpu.memory_space<vmem_shared>> -> memref<4096xi32, #tpu.memory_space<vmem_shared>>
      tpu.enqueue_dma source(%dma_start3A_264 : memref<4096xi32, #tpu.memory_space<vmem_shared>>) target(%arg7 : memref<4096xi32, #tpu.memory_space<vmem>>) target_semaphore(%arg11 : memref<!tpu.dma_semaphore, #tpu.memory_space<semaphore_mem>>)
      %ge3A_265 = arith.constant 1 : i32
      %ge3A_266 = arith.cmpi sge, %scan3A_220, %ge3A_265 : i32
      %convert_element_type3A_267 = arith.extui %ge3A_266 : i1 to i32
      %cond3A_268 = arith.constant 0 : i32
      %cond3A_269 = arith.cmpi ne, %convert_element_type3A_267, %cond3A_268 : i32
      scf.if %cond3A_269 {
        %sub3A_345 = arith.constant 2 : i32
        %sub3A_346 = arith.subi %add3A_252, %sub3A_345 : i32
        %dma_wait3A_347 = arith.constant 0 : i32
        %dma_wait3A_348 = tpu.memref_slice %arg4[%sub3A_346, %add3A_143, %dma_wait3A_347] : memref<50x64x4096xf32, #tpu.memory_space<hbm>> -> memref<1x1x4096xf32, #tpu.memory_space<hbm>>
        %dma_wait3A_349 = tpu.memref_squeeze %dma_wait3A_348 : memref<1x1x4096xf32, #tpu.memory_space<hbm>> -> memref<4096xf32, #tpu.memory_space<hbm>>
        %dma_wait3A_350 = arith.constant 0 : i32
        %dma_wait3A_351 = tpu.memref_slice %arg4[%sub3A_346, %add3A_143, %dma_wait3A_350] : memref<50x64x4096xf32, #tpu.memory_space<hbm>> -> memref<1x1x4096xf32, #tpu.memory_space<hbm>>
        %dma_wait3A_352 = tpu.memref_squeeze %dma_wait3A_351 : memref<1x1x4096xf32, #tpu.memory_space<hbm>> -> memref<4096xf32, #tpu.memory_space<hbm>>
        tpu.wait_dma2 semaphore(%arg14 : memref<!tpu.dma_semaphore, #tpu.memory_space<semaphore_mem>>) src(%arg10 : memref<4096xf32, #tpu.memory_space<vmem>>) dst(%dma_wait3A_352 : memref<4096xf32, #tpu.memory_space<hbm>>)
      } else {
      }
      %parallel_loop3A_270 = arith.constant 0 : i32
      %parallel_loop3A_271 = arith.constant 4096 : i32
      %parallel_loop3A_272 = arith.constant 16 : i32
      scf.for %parallel_loop3A_345 = %parallel_loop3A_270 to %parallel_loop3A_271 step %parallel_loop3A_272  : i32 {
        %parallel_loop3A_346 = arith.index_cast %parallel_loop3A_345 : i32 to index
        %parallel_loop3A_347 = tpu.vector_load %arg8[%parallel_loop3A_346] {strides = array<i32>} : memref<4096xi32, #tpu.memory_space<vmem>>, vector<16xi32>,
        %parallel_loop3A_348 = tpu.vector_load_idx %arg5[%parallel_loop3A_347] : memref<100000xf32, #tpu.memory_space<vmem>>[vector<16xi32>], vector<16xf32>,
        %parallel_loop3A_349 = arith.index_cast %parallel_loop3A_345 : i32 to index
        %parallel_loop3A_350 = tpu.vector_load %arg10[%parallel_loop3A_349] {strides = array<i32>} : memref<4096xf32, #tpu.memory_space<vmem>>, vector<16xf32>,
        tpu.vector_store %arg10[%parallel_loop3A_349], %parallel_loop3A_348 {strides = array<i32>} : memref<4096xf32, #tpu.memory_space<vmem>>, vector<16xf32>,
      } {sc.loop_unroll_factor = 8 : i64, sc.parallel_access}
      %dma_start3A_273 = arith.constant 0 : i32
      %dma_start3A_274 = tpu.memref_slice %arg4[%add3A_252, %add3A_143, %dma_start3A_273] : memref<50x64x4096xf32, #tpu.memory_space<hbm>> -> memref<1x1x4096xf32, #tpu.memory_space<hbm>>
      %dma_start3A_275 = tpu.memref_squeeze %dma_start3A_274 : memref<1x1x4096xf32, #tpu.memory_space<hbm>> -> memref<4096xf32, #tpu.memory_space<hbm>>
      %dma_start3A_276 = arith.constant 0 : i32
      %dma_start3A_277 = tpu.memref_slice %arg4[%add3A_252, %add3A_143, %dma_start3A_276] : memref<50x64x4096xf32, #tpu.memory_space<hbm>> -> memref<1x1x4096xf32, #tpu.memory_space<hbm>>
      %dma_start3A_278 = tpu.memref_squeeze %dma_start3A_277 : memref<1x1x4096xf32, #tpu.memory_space<hbm>> -> memref<4096xf32, #tpu.memory_space<hbm>>
      tpu.enqueue_dma source(%arg10 : memref<4096xf32, #tpu.memory_space<vmem>>) target(%dma_start3A_278 : memref<4096xf32, #tpu.memory_space<hbm>>) target_semaphore(%arg14 : memref<!tpu.dma_semaphore, #tpu.memory_space<semaphore_mem>>)
      %mul3A_279 = arith.constant 4 : i32
      %mul3A_280 = arith.muli %scan3A_220, %mul3A_279 : i32
      %add3A_281 = arith.constant 2 : i32
      %add3A_282 = arith.addi %mul3A_280, %add3A_281 : i32
      %mul3A_283 = arith.constant 4096 : i32
      %mul3A_284 = arith.muli %add3A_282, %mul3A_283 : i32
      %dma_wait3A_285 = tpu.memref_slice %arg6[%mul3A_284] : memref<204800xi32, #tpu.memory_space<vmem_shared>> -> memref<4096xi32, #tpu.memory_space<vmem_shared>>
      %dma_wait3A_286 = tpu.memref_slice %arg6[%mul3A_284] : memref<204800xi32, #tpu.memory_space<vmem_shared>> -> memref<4096xi32, #tpu.memory_space<vmem_shared>>
      tpu.wait_dma2 semaphore(%arg11 : memref<!tpu.dma_semaphore, #tpu.memory_space<semaphore_mem>>) src(%dma_wait3A_286 : memref<4096xi32, #tpu.memory_space<vmem_shared>>) dst(%arg7 : memref<4096xi32, #tpu.memory_space<vmem>>)
      %add3A_287 = arith.constant 2 : i32
      %add3A_288 = arith.addi %add3A_282, %add3A_287 : i32
      %sub3A_289 = arith.constant 1 : i32
      %sub3A_290 = arith.subi %add3A_288, %sub3A_289 : i32
      %mul3A_291 = arith.constant 4096 : i32
      %mul3A_292 = arith.muli %sub3A_290, %mul3A_291 : i32
      %dma_start3A_293 = tpu.memref_slice %arg6[%mul3A_292] : memref<204800xi32, #tpu.memory_space<vmem_shared>> -> memref<4096xi32, #tpu.memory_space<vmem_shared>>
      %dma_start3A_294 = tpu.memref_slice %arg6[%mul3A_292] : memref<204800xi32, #tpu.memory_space<vmem_shared>> -> memref<4096xi32, #tpu.memory_space<vmem_shared>>
      tpu.enqueue_dma source(%dma_start3A_294 : memref<4096xi32, #tpu.memory_space<vmem_shared>>) target(%arg8 : memref<4096xi32, #tpu.memory_space<vmem>>) target_semaphore(%arg12 : memref<!tpu.dma_semaphore, #tpu.memory_space<semaphore_mem>>)
      %sub3A_295 = arith.constant 2 : i32
      %sub3A_296 = arith.subi %add3A_282, %sub3A_295 : i32
      %dma_wait3A_297 = arith.constant 0 : i32
      %dma_wait3A_298 = tpu.memref_slice %arg4[%sub3A_296, %add3A_143, %dma_wait3A_297] : memref<50x64x4096xf32, #tpu.memory_space<hbm>> -> memref<1x1x4096xf32, #tpu.memory_space<hbm>>
      %dma_wait3A_299 = tpu.memref_squeeze %dma_wait3A_298 : memref<1x1x4096xf32, #tpu.memory_space<hbm>> -> memref<4096xf32, #tpu.memory_space<hbm>>
      %dma_wait3A_300 = arith.constant 0 : i32
      %dma_wait3A_301 = tpu.memref_slice %arg4[%sub3A_296, %add3A_143, %dma_wait3A_300] : memref<50x64x4096xf32, #tpu.memory_space<hbm>> -> memref<1x1x4096xf32, #tpu.memory_space<hbm>>
      %dma_wait3A_302 = tpu.memref_squeeze %dma_wait3A_301 : memref<1x1x4096xf32, #tpu.memory_space<hbm>> -> memref<4096xf32, #tpu.memory_space<hbm>>
      tpu.wait_dma2 semaphore(%arg13 : memref<!tpu.dma_semaphore, #tpu.memory_space<semaphore_mem>>) src(%arg9 : memref<4096xf32, #tpu.memory_space<vmem>>) dst(%dma_wait3A_302 : memref<4096xf32, #tpu.memory_space<hbm>>)
      %parallel_loop3A_303 = arith.constant 0 : i32
      %parallel_loop3A_304 = arith.constant 4096 : i32
      %parallel_loop3A_305 = arith.constant 16 : i32
      scf.for %parallel_loop3A_345 = %parallel_loop3A_303 to %parallel_loop3A_304 step %parallel_loop3A_305  : i32 {
        %parallel_loop3A_346 = arith.index_cast %parallel_loop3A_345 : i32 to index
        %parallel_loop3A_347 = tpu.vector_load %arg7[%parallel_loop3A_346] {strides = array<i32>} : memref<4096xi32, #tpu.memory_space<vmem>>, vector<16xi32>,
        %parallel_loop3A_348 = tpu.vector_load_idx %arg5[%parallel_loop3A_347] : memref<100000xf32, #tpu.memory_space<vmem>>[vector<16xi32>], vector<16xf32>,
        %parallel_loop3A_349 = arith.index_cast %parallel_loop3A_345 : i32 to index
        %parallel_loop3A_350 = tpu.vector_load %arg9[%parallel_loop3A_349] {strides = array<i32>} : memref<4096xf32, #tpu.memory_space<vmem>>, vector<16xf32>,
        tpu.vector_store %arg9[%parallel_loop3A_349], %parallel_loop3A_348 {strides = array<i32>} : memref<4096xf32, #tpu.memory_space<vmem>>, vector<16xf32>,
      } {sc.loop_unroll_factor = 8 : i64, sc.parallel_access}
      %dma_start3A_306 = arith.constant 0 : i32
      %dma_start3A_307 = tpu.memref_slice %arg4[%add3A_282, %add3A_143, %dma_start3A_306] : memref<50x64x4096xf32, #tpu.memory_space<hbm>> -> memref<1x1x4096xf32, #tpu.memory_space<hbm>>
      %dma_start3A_308 = tpu.memref_squeeze %dma_start3A_307 : memref<1x1x4096xf32, #tpu.memory_space<hbm>> -> memref<4096xf32, #tpu.memory_space<hbm>>
      %dma_start3A_309 = arith.constant 0 : i32
      %dma_start3A_310 = tpu.memref_slice %arg4[%add3A_282, %add3A_143, %dma_start3A_309] : memref<50x64x4096xf32, #tpu.memory_space<hbm>> -> memref<1x1x4096xf32, #tpu.memory_space<hbm>>
      %dma_start3A_311 = tpu.memref_squeeze %dma_start3A_310 : memref<1x1x4096xf32, #tpu.memory_space<hbm>> -> memref<4096xf32, #tpu.memory_space<hbm>>
      tpu.enqueue_dma source(%arg9 : memref<4096xf32, #tpu.memory_space<vmem>>) target(%dma_start3A_311 : memref<4096xf32, #tpu.memory_space<hbm>>) target_semaphore(%arg13 : memref<!tpu.dma_semaphore, #tpu.memory_space<semaphore_mem>>)
      %mul3A_312 = arith.constant 4 : i32
      %mul3A_313 = arith.muli %scan3A_220, %mul3A_312 : i32
      %add3A_314 = arith.constant 3 : i32
      %add3A_315 = arith.addi %mul3A_313, %add3A_314 : i32
      %mul3A_316 = arith.constant 4096 : i32
      %mul3A_317 = arith.muli %add3A_315, %mul3A_316 : i32
      %dma_wait3A_318 = tpu.memref_slice %arg6[%mul3A_317] : memref<204800xi32, #tpu.memory_space<vmem_shared>> -> memref<4096xi32, #tpu.memory_space<vmem_shared>>
      %dma_wait3A_319 = tpu.memref_slice %arg6[%mul3A_317] : memref<204800xi32, #tpu.memory_space<vmem_shared>> -> memref<4096xi32, #tpu.memory_space<vmem_shared>>
      tpu.wait_dma2 semaphore(%arg12 : memref<!tpu.dma_semaphore, #tpu.memory_space<semaphore_mem>>) src(%dma_wait3A_319 : memref<4096xi32, #tpu.memory_space<vmem_shared>>) dst(%arg8 : memref<4096xi32, #tpu.memory_space<vmem>>)
      %add3A_320 = arith.constant 2 : i32
      %add3A_321 = arith.addi %add3A_315, %add3A_320 : i32
      %sub3A_322 = arith.constant 1 : i32
      %sub3A_323 = arith.subi %add3A_321, %sub3A_322 : i32
      %mul3A_324 = arith.constant 4096 : i32
      %mul3A_325 = arith.muli %sub3A_323, %mul3A_324 : i32
      %dma_start3A_326 = tpu.memref_slice %arg6[%mul3A_325] : memref<204800xi32, #tpu.memory_space<vmem_shared>> -> memref<4096xi32, #tpu.memory_space<vmem_shared>>
      %dma_start3A_327 = tpu.memref_slice %arg6[%mul3A_325] : memref<204800xi32, #tpu.memory_space<vmem_shared>> -> memref<4096xi32, #tpu.memory_space<vmem_shared>>
      tpu.enqueue_dma source(%dma_start3A_327 : memref<4096xi32, #tpu.memory_space<vmem_shared>>) target(%arg7 : memref<4096xi32, #tpu.memory_space<vmem>>) target_semaphore(%arg11 : memref<!tpu.dma_semaphore, #tpu.memory_space<semaphore_mem>>)
      %sub3A_328 = arith.constant 2 : i32
      %sub3A_329 = arith.subi %add3A_315, %sub3A_328 : i32
      %dma_wait3A_330 = arith.constant 0 : i32
      %dma_wait3A_331 = tpu.memref_slice %arg4[%sub3A_329, %add3A_143, %dma_wait3A_330] : memref<50x64x4096xf32, #tpu.memory_space<hbm>> -> memref<1x1x4096xf32, #tpu.memory_space<hbm>>
      %dma_wait3A_332 = tpu.memref_squeeze %dma_wait3A_331 : memref<1x1x4096xf32, #tpu.memory_space<hbm>> -> memref<4096xf32, #tpu.memory_space<hbm>>
      %dma_wait3A_333 = arith.constant 0 : i32
      %dma_wait3A_334 = tpu.memref_slice %arg4[%sub3A_329, %add3A_143, %dma_wait3A_333] : memref<50x64x4096xf32, #tpu.memory_space<hbm>> -> memref<1x1x4096xf32, #tpu.memory_space<hbm>>
      %dma_wait3A_335 = tpu.memref_squeeze %dma_wait3A_334 : memref<1x1x4096xf32, #tpu.memory_space<hbm>> -> memref<4096xf32, #tpu.memory_space<hbm>>
      tpu.wait_dma2 semaphore(%arg14 : memref<!tpu.dma_semaphore, #tpu.memory_space<semaphore_mem>>) src(%arg10 : memref<4096xf32, #tpu.memory_space<vmem>>) dst(%dma_wait3A_335 : memref<4096xf32, #tpu.memory_space<hbm>>)
      %parallel_loop3A_336 = arith.constant 0 : i32
      %parallel_loop3A_337 = arith.constant 4096 : i32
      %parallel_loop3A_338 = arith.constant 16 : i32
      scf.for %parallel_loop3A_345 = %parallel_loop3A_336 to %parallel_loop3A_337 step %parallel_loop3A_338  : i32 {
        %parallel_loop3A_346 = arith.index_cast %parallel_loop3A_345 : i32 to index
        %parallel_loop3A_347 = tpu.vector_load %arg8[%parallel_loop3A_346] {strides = array<i32>} : memref<4096xi32, #tpu.memory_space<vmem>>, vector<16xi32>,
        %parallel_loop3A_348 = tpu.vector_load_idx %arg5[%parallel_loop3A_347] : memref<100000xf32, #tpu.memory_space<vmem>>[vector<16xi32>], vector<16xf32>,
        %parallel_loop3A_349 = arith.index_cast %parallel_loop3A_345 : i32 to index
        %parallel_loop3A_350 = tpu.vector_load %arg10[%parallel_loop3A_349] {strides = array<i32>} : memref<4096xf32, #tpu.memory_space<vmem>>, vector<16xf32>,
        tpu.vector_store %arg10[%parallel_loop3A_349], %parallel_loop3A_348 {strides = array<i32>} : memref<4096xf32, #tpu.memory_space<vmem>>, vector<16xf32>,
      } {sc.loop_unroll_factor = 8 : i64, sc.parallel_access}
      %dma_start3A_339 = arith.constant 0 : i32
      %dma_start3A_340 = tpu.memref_slice %arg4[%add3A_315, %add3A_143, %dma_start3A_339] : memref<50x64x4096xf32, #tpu.memory_space<hbm>> -> memref<1x1x4096xf32, #tpu.memory_space<hbm>>
      %dma_start3A_341 = tpu.memref_squeeze %dma_start3A_340 : memref<1x1x4096xf32, #tpu.memory_space<hbm>> -> memref<4096xf32, #tpu.memory_space<hbm>>
      %dma_start3A_342 = arith.constant 0 : i32
      %dma_start3A_343 = tpu.memref_slice %arg4[%add3A_315, %add3A_143, %dma_start3A_342] : memref<50x64x4096xf32, #tpu.memory_space<hbm>> -> memref<1x1x4096xf32, #tpu.memory_space<hbm>>
      %dma_start3A_344 = tpu.memref_squeeze %dma_start3A_343 : memref<1x1x4096xf32, #tpu.memory_space<hbm>> -> memref<4096xf32, #tpu.memory_space<hbm>>
      tpu.enqueue_dma source(%arg10 : memref<4096xf32, #tpu.memory_space<vmem>>) target(%dma_start3A_344 : memref<4096xf32, #tpu.memory_space<hbm>>) target_semaphore(%arg14 : memref<!tpu.dma_semaphore, #tpu.memory_space<semaphore_mem>>)
    }
    %scan3A_159 = arith.constant 12 : i32
    %dma_wait3A_160 = arith.constant 196608 : i32
    %dma_wait3A_161 = tpu.memref_slice %arg6[%dma_wait3A_160] : memref<204800xi32, #tpu.memory_space<vmem_shared>> -> memref<4096xi32, #tpu.memory_space<vmem_shared>>
    %dma_wait3A_162 = arith.constant 196608 : i32
    %dma_wait3A_163 = tpu.memref_slice %arg6[%dma_wait3A_162] : memref<204800xi32, #tpu.memory_space<vmem_shared>> -> memref<4096xi32, #tpu.memory_space<vmem_shared>>
    tpu.wait_dma2 semaphore(%arg11 : memref<!tpu.dma_semaphore, #tpu.memory_space<semaphore_mem>>) src(%dma_wait3A_163 : memref<4096xi32, #tpu.memory_space<vmem_shared>>) dst(%arg7 : memref<4096xi32, #tpu.memory_space<vmem>>)
    %dma_start3A_164 = arith.constant 200704 : i32
    %dma_start3A_165 = tpu.memref_slice %arg6[%dma_start3A_164] : memref<204800xi32, #tpu.memory_space<vmem_shared>> -> memref<4096xi32, #tpu.memory_space<vmem_shared>>
    %dma_start3A_166 = arith.constant 200704 : i32
    %dma_start3A_167 = tpu.memref_slice %arg6[%dma_start3A_166] : memref<204800xi32, #tpu.memory_space<vmem_shared>> -> memref<4096xi32, #tpu.memory_space<vmem_shared>>
    tpu.enqueue_dma source(%dma_start3A_167 : memref<4096xi32, #tpu.memory_space<vmem_shared>>) target(%arg8 : memref<4096xi32, #tpu.memory_space<vmem>>) target_semaphore(%arg12 : memref<!tpu.dma_semaphore, #tpu.memory_space<semaphore_mem>>)
    %dma_wait3A_168 = arith.constant 46 : i32
    %dma_wait3A_169 = arith.constant 0 : i32
    %dma_wait3A_170 = tpu.memref_slice %arg4[%dma_wait3A_168, %add3A_143, %dma_wait3A_169] : memref<50x64x4096xf32, #tpu.memory_space<hbm>> -> memref<1x1x4096xf32, #tpu.memory_space<hbm>>
    %dma_wait3A_171 = tpu.memref_squeeze %dma_wait3A_170 : memref<1x1x4096xf32, #tpu.memory_space<hbm>> -> memref<4096xf32, #tpu.memory_space<hbm>>
    %dma_wait3A_172 = arith.constant 0 : i32
    %dma_wait3A_173 = tpu.memref_slice %arg4[%dma_wait3A_168, %add3A_143, %dma_wait3A_172] : memref<50x64x4096xf32, #tpu.memory_space<hbm>> -> memref<1x1x4096xf32, #tpu.memory_space<hbm>>
    %dma_wait3A_174 = tpu.memref_squeeze %dma_wait3A_173 : memref<1x1x4096xf32, #tpu.memory_space<hbm>> -> memref<4096xf32, #tpu.memory_space<hbm>>
    tpu.wait_dma2 semaphore(%arg13 : memref<!tpu.dma_semaphore, #tpu.memory_space<semaphore_mem>>) src(%arg9 : memref<4096xf32, #tpu.memory_space<vmem>>) dst(%dma_wait3A_174 : memref<4096xf32, #tpu.memory_space<hbm>>)
    %parallel_loop3A_175 = arith.constant 0 : i32
    %parallel_loop3A_176 = arith.constant 4096 : i32
    %parallel_loop3A_177 = arith.constant 16 : i32
    scf.for %parallel_loop3A_220 = %parallel_loop3A_175 to %parallel_loop3A_176 step %parallel_loop3A_177  : i32 {
      %parallel_loop3A_221 = arith.index_cast %parallel_loop3A_220 : i32 to index
      %parallel_loop3A_222 = tpu.vector_load %arg7[%parallel_loop3A_221] {strides = array<i32>} : memref<4096xi32, #tpu.memory_space<vmem>>, vector<16xi32>,
      %parallel_loop3A_223 = tpu.vector_load_idx %arg5[%parallel_loop3A_222] : memref<100000xf32, #tpu.memory_space<vmem>>[vector<16xi32>], vector<16xf32>,
      %parallel_loop3A_224 = arith.index_cast %parallel_loop3A_220 : i32 to index
      %parallel_loop3A_225 = tpu.vector_load %arg9[%parallel_loop3A_224] {strides = array<i32>} : memref<4096xf32, #tpu.memory_space<vmem>>, vector<16xf32>,
      tpu.vector_store %arg9[%parallel_loop3A_224], %parallel_loop3A_223 {strides = array<i32>} : memref<4096xf32, #tpu.memory_space<vmem>>, vector<16xf32>,
    } {sc.loop_unroll_factor = 8 : i64, sc.parallel_access}
    %dma_start3A_178 = arith.constant 48 : i32
    %dma_start3A_179 = arith.constant 0 : i32
    %dma_start3A_180 = tpu.memref_slice %arg4[%dma_start3A_178, %add3A_143, %dma_start3A_179] : memref<50x64x4096xf32, #tpu.memory_space<hbm>> -> memref<1x1x4096xf32, #tpu.memory_space<hbm>>
    %dma_start3A_181 = tpu.memref_squeeze %dma_start3A_180 : memref<1x1x4096xf32, #tpu.memory_space<hbm>> -> memref<4096xf32, #tpu.memory_space<hbm>>
    %dma_start3A_182 = arith.constant 0 : i32
    %dma_start3A_183 = tpu.memref_slice %arg4[%dma_start3A_178, %add3A_143, %dma_start3A_182] : memref<50x64x4096xf32, #tpu.memory_space<hbm>> -> memref<1x1x4096xf32, #tpu.memory_space<hbm>>
    %dma_start3A_184 = tpu.memref_squeeze %dma_start3A_183 : memref<1x1x4096xf32, #tpu.memory_space<hbm>> -> memref<4096xf32, #tpu.memory_space<hbm>>
    tpu.enqueue_dma source(%arg9 : memref<4096xf32, #tpu.memory_space<vmem>>) target(%dma_start3A_184 : memref<4096xf32, #tpu.memory_space<hbm>>) target_semaphore(%arg13 : memref<!tpu.dma_semaphore, #tpu.memory_space<semaphore_mem>>)
    %dma_wait3A_185 = arith.constant 200704 : i32
    %dma_wait3A_186 = tpu.memref_slice %arg6[%dma_wait3A_185] : memref<204800xi32, #tpu.memory_space<vmem_shared>> -> memref<4096xi32, #tpu.memory_space<vmem_shared>>
    %dma_wait3A_187 = arith.constant 200704 : i32
    %dma_wait3A_188 = tpu.memref_slice %arg6[%dma_wait3A_187] : memref<204800xi32, #tpu.memory_space<vmem_shared>> -> memref<4096xi32, #tpu.memory_space<vmem_shared>>
    tpu.wait_dma2 semaphore(%arg12 : memref<!tpu.dma_semaphore, #tpu.memory_space<semaphore_mem>>) src(%dma_wait3A_188 : memref<4096xi32, #tpu.memory_space<vmem_shared>>) dst(%arg8 : memref<4096xi32, #tpu.memory_space<vmem>>)
    %dma_wait3A_189 = arith.constant 47 : i32
    %dma_wait3A_190 = arith.constant 0 : i32
    %dma_wait3A_191 = tpu.memref_slice %arg4[%dma_wait3A_189, %add3A_143, %dma_wait3A_190] : memref<50x64x4096xf32, #tpu.memory_space<hbm>> -> memref<1x1x4096xf32, #tpu.memory_space<hbm>>
    %dma_wait3A_192 = tpu.memref_squeeze %dma_wait3A_191 : memref<1x1x4096xf32, #tpu.memory_space<hbm>> -> memref<4096xf32, #tpu.memory_space<hbm>>
    %dma_wait3A_193 = arith.constant 0 : i32
    %dma_wait3A_194 = tpu.memref_slice %arg4[%dma_wait3A_189, %add3A_143, %dma_wait3A_193] : memref<50x64x4096xf32, #tpu.memory_space<hbm>> -> memref<1x1x4096xf32, #tpu.memory_space<hbm>>
    %dma_wait3A_195 = tpu.memref_squeeze %dma_wait3A_194 : memref<1x1x4096xf32, #tpu.memory_space<hbm>> -> memref<4096xf32, #tpu.memory_space<hbm>>
    tpu.wait_dma2 semaphore(%arg14 : memref<!tpu.dma_semaphore, #tpu.memory_space<semaphore_mem>>) src(%arg10 : memref<4096xf32, #tpu.memory_space<vmem>>) dst(%dma_wait3A_195 : memref<4096xf32, #tpu.memory_space<hbm>>)
    %parallel_loop3A_196 = arith.constant 0 : i32
    %parallel_loop3A_197 = arith.constant 4096 : i32
    %parallel_loop3A_198 = arith.constant 16 : i32
    scf.for %parallel_loop3A_220 = %parallel_loop3A_196 to %parallel_loop3A_197 step %parallel_loop3A_198  : i32 {
      %parallel_loop3A_221 = arith.index_cast %parallel_loop3A_220 : i32 to index
      %parallel_loop3A_222 = tpu.vector_load %arg8[%parallel_loop3A_221] {strides = array<i32>} : memref<4096xi32, #tpu.memory_space<vmem>>, vector<16xi32>,
      %parallel_loop3A_223 = tpu.vector_load_idx %arg5[%parallel_loop3A_222] : memref<100000xf32, #tpu.memory_space<vmem>>[vector<16xi32>], vector<16xf32>,
      %parallel_loop3A_224 = arith.index_cast %parallel_loop3A_220 : i32 to index
      %parallel_loop3A_225 = tpu.vector_load %arg10[%parallel_loop3A_224] {strides = array<i32>} : memref<4096xf32, #tpu.memory_space<vmem>>, vector<16xf32>,
      tpu.vector_store %arg10[%parallel_loop3A_224], %parallel_loop3A_223 {strides = array<i32>} : memref<4096xf32, #tpu.memory_space<vmem>>, vector<16xf32>,
    } {sc.loop_unroll_factor = 8 : i64, sc.parallel_access}
    %dma_start3A_199 = arith.constant 49 : i32
    %dma_start3A_200 = arith.constant 0 : i32
    %dma_start3A_201 = tpu.memref_slice %arg4[%dma_start3A_199, %add3A_143, %dma_start3A_200] : memref<50x64x4096xf32, #tpu.memory_space<hbm>> -> memref<1x1x4096xf32, #tpu.memory_space<hbm>>
    %dma_start3A_202 = tpu.memref_squeeze %dma_start3A_201 : memref<1x1x4096xf32, #tpu.memory_space<hbm>> -> memref<4096xf32, #tpu.memory_space<hbm>>
    %dma_start3A_203 = arith.constant 0 : i32
    %dma_start3A_204 = tpu.memref_slice %arg4[%dma_start3A_199, %add3A_143, %dma_start3A_203] : memref<50x64x4096xf32, #tpu.memory_space<hbm>> -> memref<1x1x4096xf32, #tpu.memory_space<hbm>>
    %dma_start3A_205 = tpu.memref_squeeze %dma_start3A_204 : memref<1x1x4096xf32, #tpu.memory_space<hbm>> -> memref<4096xf32, #tpu.memory_space<hbm>>
    tpu.enqueue_dma source(%arg10 : memref<4096xf32, #tpu.memory_space<vmem>>) target(%dma_start3A_205 : memref<4096xf32, #tpu.memory_space<hbm>>) target_semaphore(%arg14 : memref<!tpu.dma_semaphore, #tpu.memory_space<semaphore_mem>>)
    %dma_wait3A_206 = arith.constant 48 : i32
    %dma_wait3A_207 = arith.constant 0 : i32
    %dma_wait3A_208 = tpu.memref_slice %arg4[%dma_wait3A_206, %add3A_143, %dma_wait3A_207] : memref<50x64x4096xf32, #tpu.memory_space<hbm>> -> memref<1x1x4096xf32, #tpu.memory_space<hbm>>
    %dma_wait3A_209 = tpu.memref_squeeze %dma_wait3A_208 : memref<1x1x4096xf32, #tpu.memory_space<hbm>> -> memref<4096xf32, #tpu.memory_space<hbm>>
    %dma_wait3A_210 = arith.constant 0 : i32
    %dma_wait3A_211 = tpu.memref_slice %arg4[%dma_wait3A_206, %add3A_143, %dma_wait3A_210] : memref<50x64x4096xf32, #tpu.memory_space<hbm>> -> memref<1x1x4096xf32, #tpu.memory_space<hbm>>
    %dma_wait3A_212 = tpu.memref_squeeze %dma_wait3A_211 : memref<1x1x4096xf32, #tpu.memory_space<hbm>> -> memref<4096xf32, #tpu.memory_space<hbm>>
    tpu.wait_dma2 semaphore(%arg13 : memref<!tpu.dma_semaphore, #tpu.memory_space<semaphore_mem>>) src(%arg9 : memref<4096xf32, #tpu.memory_space<vmem>>) dst(%dma_wait3A_212 : memref<4096xf32, #tpu.memory_space<hbm>>)
    %dma_wait3A_213 = arith.constant 49 : i32
    %dma_wait3A_214 = arith.constant 0 : i32
    %dma_wait3A_215 = tpu.memref_slice %arg4[%dma_wait3A_213, %add3A_143, %dma_wait3A_214] : memref<50x64x4096xf32, #tpu.memory_space<hbm>> -> memref<1x1x4096xf32, #tpu.memory_space<hbm>>
    %dma_wait3A_216 = tpu.memref_squeeze %dma_wait3A_215 : memref<1x1x4096xf32, #tpu.memory_space<hbm>> -> memref<4096xf32, #tpu.memory_space<hbm>>
    %dma_wait3A_217 = arith.constant 0 : i32
    %dma_wait3A_218 = tpu.memref_slice %arg4[%dma_wait3A_213, %add3A_143, %dma_wait3A_217] : memref<50x64x4096xf32, #tpu.memory_space<hbm>> -> memref<1x1x4096xf32, #tpu.memory_space<hbm>>
    %dma_wait3A_219 = tpu.memref_squeeze %dma_wait3A_218 : memref<1x1x4096xf32, #tpu.memory_space<hbm>> -> memref<4096xf32, #tpu.memory_space<hbm>>
    tpu.wait_dma2 semaphore(%arg14 : memref<!tpu.dma_semaphore, #tpu.memory_space<semaphore_mem>>) src(%arg10 : memref<4096xf32, #tpu.memory_space<vmem>>) dst(%dma_wait3A_219 : memref<4096xf32, #tpu.memory_space<hbm>>)
    return
  }
}

</mosaic_0001>

<sc_bundles>
// kernel: kernel.3.cloned.1.call-start
scs
__scs_entry_jumppad:
0x0: {  	(pc) =	sbr.rel $0x88, $3  }
0x1: {  	(tag) =	ssettag $0x0;
	lr =	simm.s32 $0x1  }
0x2: {  	[smem:$0x3F9F] =	sst lr;
	_ =	strace $0xD0000000  }
0x3: {  	_ = 	snop  }
0x4: {  	_ = 	snop  }
0x5: {  	_ = 	snop  }
0x6: {  	_ = 	snop  }
0x7: {  	_ = 	snop  }
__scs_overlays_trampoline_lowered:
0x8: {  	[smem:$0x3FAE] =	sst s0  }
0x9: {  	[smem:$0x3FAF] =	sst s1  }
0xa: {  	[smem:$0x3FB0] =	sst s2  }
0xb: {  	[smem:$0x3FB1] =	sst s3  }
0xc: {  	[smem:$0x3FB2] =	sst s4  }
0xd: {  	[smem:$0x3FB3] =	sst s5  }
0xe: {  	[smem:$0x3FB4] =	sst s6  }
0xf: {  	[smem:$0x3FB5] =	sst s7  }
0x10: {  	[smem:$0x3FB6] =	sst s8  }
0x11: {  	[smem:$0x3FB7] =	sst s9;
	s0 =	simm.s32 @!p0 $0x0  }
0x12: {  	s1 =	sld [smem:$0x3F9D];
	s0 =	simm.s32 @p0 $0x1  }
0x13: {  	[smem:$0x3FB8] =	sst s0;
	s0 =	simm.s32 @!p1 $0x0  }
0x14: {  	s2 =	sld [smem:$0x3F9C];
	s0 =	simm.s32 @p1 $0x1  }
0x15: {  	[smem:$0x3FB9] =	sst s0;
	s0 =	simm.s32 @!p2 $0x0  }
0x16: {  	s3 =	sld [smem:$0x3FDB];
	s0 =	simm.s32 @p2 $0x1  }
0x17: {  	s4 =	simm.s32 $0x1BF5;
	[smem:$0x3FBB] =	sst s0  }
0x18: {  	s0 =	sld [smem:$0x3F9E];
	_ =	swait.ge [sflag:s4], $0x0  }
0x19: {  	s7 =	sld [smem:$0x3F9F]  }
0x1a: {  	s8 =	sadd.s32 $0xFFFFE003, lr  }
0x1b: {  	s9 =	sadd.s32 $0xFFFFFEF7, lr;
	s5 =	simm.s32 $0xFFFFFFFF;
	p2 =	slt.u32 s8, $0xFFFFF086  }
0x1c: {  	p1 =	slt.u32 s9, $0xF7A;
	s5 =	simm.s32 @!p2 $0x0  }
0x1d: {  	s5 =	simm.s32 @p1 $0x1;
	p0 =	seq.s32 s7, s2  }
0x1e: {  	s7 =	smul.u32 @!p0 $0xF7A, s2;
	p2 =	seq.s32 @!p0 s5, $0x0  }
0x1f: {  	s9 =	smul.u32 $0xF7A, s1;
	s8 =	simm.s32 @!p0 $0x1BF5;
	p2 =	por !p2, p0  }
0x20: {  	[sflag:s8] =	ssyncset.s32 @!p0 $0xFFFFF086;
	s6 =	sadd.s32 @!p0 s3, s7;
	s7 =	simm.s32 @!p0 $0x108  }
0x21: {  	s3 =	sadd.s32 s3, s9;
	s6 =	sadd.s32 @!p0 $0x88, s6;
	s7 =	simm.s32 @p2 $0x1082  }
0x22: {  	[simem:s7], [sflag:s8] =	dma.local @!p0 [hbm:s6], $0xF7A  }
0x23: {  	s9 =	sor.u32 $0xD0000000, s2;
	s6 =	simm.s32 $0x108;
	_ =	swait.ge @!p0 [sflag:s8], $0x0  }
0x24: {  	s3 =	sadd.s32 $0x88, s3;
	s6 =	simm.s32 @!p1 $0x1082;
	[sflag:s4] =	ssyncset.s32 $0xFFFFF086  }
0x25: {  	[simem:s6], [sflag:s4] =	dma.local [hbm:s3], $0xF7A  }
0x26: {  	[smem:$0x3F9F] =	sst s1;
	(tag) =	ssettag s2;
	_ =	strace s9  }
0x27: {  	s1 =	sld [smem:$0x3FAF]  }
0x28: {  	s2 =	sld [smem:$0x3FB0]  }
0x29: {  	s4 =	sld [smem:$0x3FB2]  }
0x2a: {  	p0 =	seq.s32 s5, $0x0;
	s5 =	sld [smem:$0x3FB3]  }
0x2b: {  	s6 =	sld [smem:$0x3FB4]  }
0x2c: {  	s7 =	sld [smem:$0x3FB5]  }
0x2d: {  	s3 =	simm.s32 $0x108;
	s8 =	sld [smem:$0x3FB6]  }
0x2e: {  	s3 =	simm.s32 @!p0 $0x1082;
	s9 =	sld [smem:$0x3FB7]  }
0x2f: {  	lr =	sadd.s32 s0, s3;
	s0 =	sld [smem:$0x3FAE]  }
0x30: {  	s3 =	sld [smem:$0x3FB1]  }
0x31: {  	[smem:$0x3FBA] =	sst s10  }
0x32: {  	s10 =	sld [smem:$0x3FB8];
	_ =	sdelay $0x3  }
0x33: {  	p0 =	seq.s32 s10, $0x1;
	s10 =	sld [smem:$0x3FBA];
	_ =	sdelay $0x3  }
0x34: {  	[smem:$0x3FBA] =	sst s10  }
0x35: {  	s10 =	sld [smem:$0x3FB9];
	_ =	sdelay $0x3  }
0x36: {  	p1 =	seq.s32 s10, $0x1;
	s10 =	sld [smem:$0x3FBA];
	_ =	sdelay $0x3  }
0x37: {  	[smem:$0x3FBA] =	sst s10  }
0x38: {  	s10 =	sld [smem:$0x3FBB]  }
0x39: {  	_ = 	snop;
	(pc) =	sbr.ind lr, $3  }
0x3a: {  	_ = 	snop  }
0x3b: {  	_ = 	snop  }
0x3c: {  	p2 =	seq.s32 s10, $0x1;
	s10 =	sld [smem:$0x3FBA]  }
0x3d: {  	_ =	shalt  }
0x3e: {  	_ =	shalt  }
0x3f: {  	_ =	shalt  }
0x40: {  	_ =	shalt  }
0x41: {  	_ =	shalt  }
0x42: {  	_ =	shalt  }
0x43: {  	_ =	shalt  }
0x44: {  	_ =	shalt  }
0x45: {  	_ =	shalt  }
0x46: {  	_ =	shalt  }
0x47: {  	_ =	shalt  }
0x48: {  	_ =	shalt  }
0x49: {  	_ =	shalt  }
0x4a: {  	_ =	shalt  }
0x4b: {  	_ =	shalt  }
0x4c: {  	_ =	shalt  }
0x4d: {  	_ =	shalt  }
0x4e: {  	_ =	shalt  }
0x4f: {  	_ =	shalt  }
0x50: {  	_ =	shalt  }
0x51: {  	_ =	shalt  }
0x52: {  	_ =	shalt  }
0x53: {  	_ =	shalt  }
0x54: {  	_ =	shalt  }
0x55: {  	_ =	shalt  }
0x56: {  	_ =	shalt  }
0x57: {  	_ =	shalt  }
0x58: {  	_ =	shalt  }
0x59: {  	_ =	shalt  }
0x5a: {  	_ =	shalt  }
0x5b: {  	_ =	shalt  }
0x5c: {  	_ =	shalt  }
0x5d: {  	_ =	shalt  }
0x5e: {  	_ =	shalt  }
0x5f: {  	_ =	shalt  }
0x60: {  	_ =	shalt  }
0x61: {  	_ =	shalt  }
0x62: {  	_ =	shalt  }
0x63: {  	_ =	shalt  }
0x64: {  	_ =	shalt  }
0x65: {  	_ =	shalt  }
0x66: {  	_ =	shalt  }
0x67: {  	_ =	shalt  }
0x68: {  	_ =	shalt  }
0x69: {  	_ =	shalt  }
0x6a: {  	_ =	shalt  }
0x6b: {  	_ =	shalt  }
0x6c: {  	_ =	shalt  }
0x6d: {  	_ =	shalt  }
0x6e: {  	_ =	shalt  }
0x6f: {  	_ =	shalt  }
0x70: {  	_ =	shalt  }
0x71: {  	_ =	shalt  }
0x72: {  	_ =	shalt  }
0x73: {  	_ =	shalt  }
0x74: {  	_ =	shalt  }
0x75: {  	_ =	shalt  }
0x76: {  	_ =	shalt  }
0x77: {  	_ =	shalt  }
0x78: {  	_ =	shalt  }
0x79: {  	_ =	shalt  }
0x7a: {  	_ =	shalt  }
0x7b: {  	_ =	shalt  }
0x7c: {  	_ =	shalt  }
0x7d: {  	_ =	shalt  }
0x7e: {  	_ =	shalt  }
0x7f: {  	_ =	shalt  }
0x80: {  	_ =	shalt  }
0x81: {  	_ =	shalt  }
0x82: {  	_ =	shalt  }
0x83: {  	_ =	shalt  }
0x84: {  	_ =	shalt  }
0x85: {  	_ =	shalt  }
0x86: {  	_ =	shalt  }
0x87: {  	_ =	shalt  }
.Lfunc_end0:
.L_simem_size_0:
called_computation_lowered:
.L_overlay_start_0:
0x88: {  	s2 =	sld [smem:$0x3FD9]  }
0x89: {  	s3 =	sld [smem:$0x3FFE];
	_ =	sdelay $0x1  }
0x8a: {  	s1 =	srdreg.scid  }
0x8b: {  	s0 =	sand.u32 $0x1, s1  }
0x8c: {  	s18 =	sshll.u32 s0, $0xA;
	s2 =	sadd.s32 s3, s2  }
0x8d: {  	s2 =	sadd.s32 s2, s18  }
0x8e: {  	[smem:$0x3FC6] =	sst s2  }
0x8f: {  	_ = 	snop  }
0x90: {  	s2 =	sld [smem:$0x3FC9]  }
0x91: {  	s19 =	sld [smem:$0x3FC8]  }
0x92: {  	s4 =	sld [smem:$0x3FD0];
	(tm) =	ssettm $0x1  }
0x93: {  	s5 =	sld [smem:$0x3FFB];
	_ =	sdelay $0x3  }
0x94: {  	_ =	strace s5  }
0x95: {  	s5 =	sld [smem:$0x3FFC];
	_ =	sdelay $0x3  }
0x96: {  	_ =	strace s5  }
0x97: {  	s5 =	sld [smem:$0x3FFD];
	_ =	sdelay $0x3  }
0x98: {  	_ =	strace s5  }
0x99: {  	_ =	strace $0x8FFFFFFF  }
0x9a: {  	s20 =	sld [smem:$0x3FDB];
	_ =	sdelay $0x1  }
0x9b: {  	s6 =	simm.s32 $_scs_section_size  }
0x9c: {  	s7 =	simm.s32 $_size__tile_overlayer_lowered;
	s8 =	simm.s32 $_tile_overlayer_lowered  }
0x9d: {  	s23 =	simm.s32 $0x1BFF;
	s22 =	sshll.u32 s8, $0x1;
	s5 =	sadd.s32 s6, s20  }
0x9e: {  	s9 =	simm.s32 $0x0;
	s21 =	sshll.u32 s7, $0x1;
	s7 =	sadd.s32 s22, s5  }
0x9f: {  	[timem:s9], [sflag:s23] =	dma.local [hbm:s7], s21  }
0xa0: {  	_ =	swait.ge [sflag:s23], s21  }
0xa1: {  	s6 =	ssub.s32 $0x0, s21;
	[sflag:s23] =	ssyncset.done $0x0  }
0xa2: {  	[sflag:s23] =	ssyncadd.s32 s6;
	_ =	sdelay $0x1  }
0xa3: {  	s24 =	simm.s32 $0x1B8B  }
0xa4: {  	_ =	swait.ge [sflag:s24], $0x1  }
0xa5: {  	[sflag:s24] =	ssyncset.done $0x0  }
0xa6: {  	s25 =	simm.s32 $0x1B8E;
	[sflag:s24] =	ssyncadd.s32 $0xFFFFFFFF  }
0xa7: {  	s26 =	simm.s32 $execute0_lowered;
	[smem:$0x3FD2] =	sst s25  }
0xa8: {  	s6 =	sshll.u32 s26, $0x1;
	_ =	strace $0x80000046;
	[dreg:$0x1] =	wrdreg $0xFFFFFFFF  }
0xa9: {  	s28 =	simm.s32 $_size_execute0_lowered;
	s5 =	sadd.s32 s5, s6;
	[dreg:$0x0] =	wrdreg $0x0  }
0xaa: {  	s6 =	sshll.u32 s28, $0x1;
	[dreg:$0x2] =	wrdreg s5  }
0xab: {  	[dreg:$0x3] =	wrdreg s6  }
0xac: {  	[dreg:$0x4] =	wrdreg $0xC0  }
0xad: {  	_ =	task [dreg:s9], $0x5FFFF  }
0xae: {  	[dreg:$0x1] =	wrdreg $0xFFFFFFFF  }
0xaf: {  	[dreg:$0x0] =	wrdreg $0x60  }
0xb0: {  	[dreg:$0x2] =	wrdreg s2  }
0xb1: {  	[dreg:$0x3] =	wrdreg s19  }
0xb2: {  	[dreg:$0x4] =	wrdreg s4  }
0xb3: {  	[dreg:$0x5] =	wrdreg $0x187000  }
0xb4: {  	[dreg:$0x6] =	wrdreg $0x9  }
0xb5: {  	_ =	task.clear_ibuf [dreg:s9], $0x7FFFF;
	_ =	strace $0x90000046  }
0xb6: {  	s29 =	simm.s32 $0x9;
	_ =	strace $0x80000048  }
0xb7: {  	_ =	swait.ge [sflag:s29], $0x1  }
0xb8: {  	[sflag:s29] =	ssyncadd.s32 $0xFFFFFFFF  }
0xb9: {  	_ =	strace $0x90000048  }
0xba: {  	_ =	sfence  }
0xbb: {  	s30 =	sld [smem:$0x0];
	_ =	sdelay $0x2  }
0xbc: {  	s31 =	sshll.u32 s1, $0xD;
	s1 =	sshrl.u32 s1, $0x2  }
0xbd: {  	s3 =	sand.u32 $0x4000, s31;
	s1 =	sadd.s32 s1, s30  }
0xbe: {  	s0 =	sor.u32 s3, s0;
	s1 =	sshll.u32 s1, $0x11  }
0xbf: {  	s0 =	sor.u32 s1, s0  }
0xc0: {  	s0 =	sadd.s32 $0x8F2B, s0  }
0xc1: {  	[sflag:s0] =	ssyncadd.remote.s32 $0x1  }
0xc2: {  	_ =	sfence.sel $0xFFFF  }
0xc3: {  	[dreg:$0x0] =	wrdreg $0xFFFFFFFF;
	(pc) =	sbr.abs _section_cstart, $3  }
0xc4: {  	[dreg:$0x1] =	wrdreg $0xFFFFFFFF  }
0xc5: {  	_ =	task.clear_ibuf [dreg:s9], $0x2FFFF;
	_ =	strace $0x9FFFFFFF  }
0xc6: {  	(tm) =	ssettm $0x7FFFFFFF  }
0xc7: {  	_ =	shalt  }
tec
execute0_lowered:
.L_overlay_start_1:
0x0: {  	(tag) =	ssettag $0x1  }
0x1: {  	s0 =	rddreg [dreg:$0x0]  }
0x2: {  	s3 =	rddreg [dreg:$0x1]  }
0x3: {  	s1 =	rddreg [dreg:$0x2]  }
0x4: {  	s2 =	rddreg [dreg:$0x3];
	s4 =	simm.s32 $0x0;
	s5 =	srdreg.scid  }
0x5: {  	s18 =	stileid.u32;
	s28 =	simm.s32 $0x10;
	s29 =	simm.s32 $0x5  }
0x6: {  	s30 =	simm.s32 $0x1B900;
	s31 =	simm.s32 $0x6;
	[smem:$0x7FF] =	sst s4  }
0x7: {  	s5 =	sand.u32 $0x1, s5;
	s6 =	sshrl.u32 s18, $0x2;
	s7 =	sshll.u32 s18, $0x8  }
0x8: {  	s24 =	sshll.u32 s18, $0xC;
	s10 =	sshll.u32 s18, $0x7;
	s15 =	sshll.u32 s18, $0x6  }
0x9: {  	s19 =	sshll.u32 s18, $0x4;
	p0 =	sgt.u32 s18, $0x1;
	_ =	strace $0x80000047  }
0xa: {  	s8 =	sshll.u32 s5, $0x7;
	s7 =	sand.u32 $0x300, s7;
	s9 =	smul.u32 $0xC3800, s6  }
0xb: {  	s5 =	ssub.s32 $0x2, s5;
	s11 =	sor.u32 s10, s24;
	s14 =	sadd.s32 s24, s2  }
0xc: {  	s26 =	sor.u32 $0x10000, s24;
	s13 =	sor.u32 $0x20000, s24;
	s20 =	sshll.u32 s6, $0xF  }
0xd: {  	s6 =	sor.u32 $0x4, s6;
	s7 =	sor.u32 s8, s7;
	s12 =	sshrl.u32 s5, $0x1  }
0xe: {  	s11 =	sand.u32 $0x8380, s11;
	s16 =	sor.u32 s10, s26;
	s8 =	sor.u32 $0x1C05, s15  }
0xf: {  	s10 =	sor.u32 s10, s13;
	[dreg:$0x6] =	wrdreg s14;
	s21 =	smul.u32 $0xC3800, s6  }
0x10: {  	s6 =	sshll.u32 s6, $0xF;
	s9 =	sor.u32 s9, s7;
	s5 =	ssub.s32 s5, s12  }
0x11: {  	s25 =	sshrl.u32 s11, $0x3;
	s17 =	sand.u32 $0x18380, s16;
	s10 =	sand.u32 $0x28380, s10  }
0x12: {  	s12 =	sor.u32 s20, s7;
	s16 =	sadd.s32 $0x180000, s1;
	s9 =	sshrl.u32 s9, $0x3  }
0x13: {  	s11 =	sshrl.u32 s17, $0x3;
	s10 =	sshrl.u32 s10, $0x3;
	s22 =	sshrl.u32 s12, $0x3  }
0x14: {  	s17 =	sadd.s32 $0x188000, s1;
	s9 =	sadd.s32 s3, s9;
	s11 =	sadd.s32 s0, s11  }
0x15: {  	s10 =	sadd.s32 s0, s10;
	s15 =	sadd.s32 s22, s16;
	[dreg:$0x5] =	wrdreg s9  }
0x16: {  	s23 =	sadd.s32 s22, s17;
	s22 =	simm.s32 $0x400;
	[dreg:$0x8] =	wrdreg s11  }
0x17: {  	s9 =	sadd.s32 s0, s25;
	s11 =	sadd.s32 s13, s2;
	[dreg:$0x9] =	wrdreg s10  }
0x18: {  	s10 =	sadd.s32 $0x30000, s14;
	s0 =	sadd.s32 s19, s0;
	[dreg:$0xb] =	wrdreg s15  }
0x19: {  	s13 =	sadd.s32 $0x31000, s2;
	s15 =	sor.u32 s7, s6;
	[dreg:$0xc] =	wrdreg s23  }
0x1a: {  	[dreg:$0x7] =	wrdreg s9;
	s9 =	sadd.s32 s26, s2;
	s0 =	sadd.s32 $0x6000, s0  }
0x1b: {  	s24 =	sshrl.u32 s15, $0x3;
	s26 =	smax.u32 s5, $0x1;
	s5 =	simm.s32 $0x2  }
0x1c: {  	[dreg:$0xa] =	wrdreg s0;
	s0 =	sor.u32 s7, s21;
	s25 =	sadd.s32 s24, s16  }
0x1d: {  	[dreg:$0x10] =	wrdreg s26;
	s21 =	simm.s32 $0x80;
	s23 =	sshrl.u32 s9, $0x3  }
0x1e: {  	s26 =	simm.s32 $0x1;
	s7 =	simm.s32 $0x1E900;
	s9 =	simm.s32 $0x3  }
0x1f: {  	s0 =	sshrl.u32 s0, $0x3;
	[dreg:$0xe] =	wrdreg s25;
	s25 =	sshrl.u32 @!p0 s10, $0x3  }
0x20: {  	s10 =	simm.s32 $0x4;
	s0 =	sadd.s32 s3, s0;
	s3 =	simm.s32 $0x1D900  }
0x21: {  	[dreg:$0xd] =	wrdreg s0;
	s0 =	sadd.s32 s24, s17;
	s24 =	sshrl.u32 s11, $0x3  }
0x22: {  	s11 =	simm.s32 $0x0;
	[dreg:$0xf] =	wrdreg s0;
	s0 =	simm.s32 $0x1C900  }
.LBB2_1:
0x23: {  	s6 =	rddreg [dreg:$0x5]  }
0x24: {  	s20 =	rddreg [dreg:$0x6]  }
0x25: {  	[tilespmem:s4], [sflag:$0x6] =	stream.strided.gather [hbm4b:s6+s21], $0x18700, s22, s21, $0x38;
	[tilespmem:$0x1F900] =	vst v63  }
0x26: {  	s14 =	rddreg [dreg:$0x7];
	s6 =	sshrl.u32 s20, $0x3  }
0x27: {  	[spmem:s6@s28], [sflag:s8] =	dma.strided [hbm:s14@s21], $0x200, s26, $0x10   }
0x28: {  	s6 =	rddreg [dreg:$0x8]  }
0x29: {  	[spmem:s23@s28], [sflag:s8] =	dma.strided [hbm:s6@s21], $0x200, s26, $0x10   }
0x2a: {  	s16 =	simm.s32 @!p0 $0x80;
	s6 =	rddreg [dreg:$0x9]  }
0x2b: {  	[spmem:s24@s28], [sflag:s8] =	dma.strided [hbm:s6@s21], $0x200, s26, $0x10   }
0x2c: {  	s14 =	simm.s32 @!p0 $0x10;
	s6 =	simm.s32 @!p0 $0x1;
	s17 =	rddreg [dreg:$0xa]  }
0x2d: {  	[spmem:s25@s14], [sflag:s8] =	dma.strided @!p0 [hbm:s17@s16], $0x200, s6, $0x10   }
0x2e: {  	s6 =	simm.s32 @!p0 $0x5  }
0x2f: {  	_ =	swait.ge @!p0 [sflag:s6], $0x200  }
0x30: {  	[sflag:s6] =	ssyncset.done @!p0 $0x0  }
0x31: {  	[sflag:s6] =	ssyncadd.s32 @!p0 $0xFFFFFE00  }
0x32: {  	_ =	swait.ge [sflag:s29], $0x200  }
0x33: {  	[sflag:s29] =	ssyncset.done $0x0  }
0x34: {  	[sflag:s29] =	ssyncadd.s32 $0xFFFFFE00  }
0x35: {  	_ =	swait.ge [sflag:s29], $0x200  }
0x36: {  	[sflag:s29] =	ssyncset.done $0x0  }
0x37: {  	[sflag:s29] =	ssyncadd.s32 $0xFFFFFE00  }
0x38: {  	_ =	swait.ge [sflag:s29], $0x200  }
0x39: {  	[sflag:s29] =	ssyncset.done $0x0  }
0x3a: {  	[sflag:s29] =	ssyncadd.s32 $0xFFFFFE00  }
0x3b: {  	[bflag:$0x0] =	sbarrier.arrive $0xFFFF  }
0x3c: {  	[tilespmem:s30], [sflag:$0x1] =	stream.linear.gather [spmem:s2], $0x1000, $0x38;
	[tilespmem:$0x1F900] =	vst v63  }
0x3d: {  	_ =	swait.ge [sflag:s31], $0x18700  }
0x3e: {  	[sflag:s31] =	ssyncset.done $0x0  }
0x3f: {  	s14 =	simm.s32 $0x0;
	[sflag:s31] =	ssyncadd.s32 $0xFFFE7900  }
.LBB2_2:
0x40: {  	s16 =	sshll.u32 s14, $0x2  }
0x41: {  	s17 =	sor.u32 $0x1, s16  }
0x42: {  	_ =	swait.ge [sflag:s26], $0x1000;
	s6 =	sshll.u32 s17, $0xC  }
0x43: {  	[sflag:s26] =	ssyncset.done $0x0;
	s6 =	sand.u32 $0x3FFFD000, s6  }
0x44: {  	p1 =	seq.s32 s14, $0x0;
	[sflag:s26] =	ssyncadd.s32 $0xFFFFF000;
	s6 =	sadd.s32 s6, s2  }
0x45: {  	[tilespmem:s0], [sflag:$0x2] =	stream.linear.gather [spmem:s6], $0x1000, $0x38;
	[tilespmem:$0x1F900] =	vst v63  }
0x46: {  	s6 =	simm.s32 @!p1 $0x3  }
0x47: {  	_ =	swait.ge @!p1 [sflag:s6], $0x1000  }
0x48: {  	[sflag:s6] =	ssyncset.done @!p1 $0x0  }
0x49: {  	s20 =	simm.s32 $0x1B940;
	[sflag:s6] =	ssyncadd.s32 @!p1 $0xFFFFF000  }
0x4a: {  	v0 =	vld [tilespmem:s20+$0x30]  }
0x4b: {  	v1 =	vld [tilespmem:s20+$0xFFFFFFD0]  }
0x4c: {  	v2 =	vld [tilespmem:s20+$0xFFFFFFE0]  }
0x4d: {  	v3 =	vld [tilespmem:s20+$0xFFFFFFF0]  }
0x4e: {  	v6 =	vld [tilespmem:s20+$0x0]  }
0x4f: {  	v7 =	vld [tilespmem:s20+$0x10]  }
0x50: {  	v8 =	vld [tilespmem:s20+$0x20]  }
0x51: {  	v9 =	vld [tilespmem:s20+$0xFFFFFFC0]  }
0x52: {  	v10 =	vld.idx.msk [tilespmem:v0+s4+$0x0], $0xffff  }
0x53: {  	v11 =	vld.idx.msk [tilespmem:v1+s4+$0x0], $0xffff  }
0x54: {  	v5 =	vld.idx.msk [tilespmem:v2+s4+$0x0], $0xffff  }
0x55: {  	v4 =	vld.idx.msk [tilespmem:v3+s4+$0x0], $0xffff  }
0x56: {  	v3 =	vld.idx.msk [tilespmem:v6+s4+$0x0], $0xffff  }
0x57: {  	s6 =	simm.s32 $0x1D940;
	v1 =	vld.idx.msk [tilespmem:v7+s4+$0x0], $0xffff  }
0x58: {  	v0 =	vld.idx.msk [tilespmem:v8+s4+$0x0], $0xffff;
	[tilespmem:s6+$0x30] =	vst v10  }
0x59: {  	s18 =	simm.s32 $0x0;
	s19 =	simm.s32 $0x1B9C0;
	v2 =	vld.idx.msk [tilespmem:v9+s4+$0x0], $0xffff;
	[tilespmem:s6+$0xFFFFFFD0] =	vst v11  }
.LBB2_3:
0x5a: {  	v6 =	vld [tilespmem:s19+$0x30];
	s18 =	sadd.s32 $0x80, s18;
	[tilespmem:s6+$0xFFFFFFE0] =	vst v5  }
0x5b: {  	v5 =	vld [tilespmem:s19+$0xFFFFFFD0];
	p2 =	slt.u32 s18, $0xF80;
	[tilespmem:s6+$0xFFFFFFF0] =	vst v4  }
0x5c: {  	v4 =	vld [tilespmem:s19+$0xFFFFFFE0];
	[tilespmem:s6+$0x0] =	vst v3  }
0x5d: {  	v3 =	vld [tilespmem:s19+$0xFFFFFFF0];
	[tilespmem:s6+$0x10] =	vst v1  }
0x5e: {  	v1 =	vld [tilespmem:s19+$0x0];
	[tilespmem:s6+$0x20] =	vst v0  }
0x5f: {  	v0 =	vld [tilespmem:s19+$0x10];
	[tilespmem:s6+$0xFFFFFFC0] =	vst v2  }
0x60: {  	v2 =	vld [tilespmem:s19+$0x20]  }
0x61: {  	v7 =	vld [tilespmem:s19+$0xFFFFFFC0]  }
0x62: {  	v6 =	vld.idx.msk [tilespmem:v6+s4+$0x0], $0xffff  }
0x63: {  	v8 =	vld.idx.msk [tilespmem:v5+s4+$0x0], $0xffff  }
0x64: {  	v5 =	vld.idx.msk [tilespmem:v4+s4+$0x0], $0xffff  }
.Ltmp0:
0x65: {  	v4 =	vld.idx.msk [tilespmem:v3+s4+$0x0], $0xffff;
	(pc) =	sbr.rel @p2 .LBB2_3-.Ltmp0, $4  }
0x66: {  	v3 =	vld.idx.msk [tilespmem:v1+s4+$0x0], $0xffff  }
0x67: {  	s6 =	sadd.s32 $0x80, s6;
	v1 =	vld.idx.msk [tilespmem:v0+s4+$0x0], $0xffff  }
0x68: {  	v0 =	vld.idx.msk [tilespmem:v2+s4+$0x0], $0xffff;
	[tilespmem:s6+$0x30] =	vst v6  }
0x69: {  	s19 =	sadd.s32 $0x80, s19;
	v2 =	vld.idx.msk [tilespmem:v7+s4+$0x0], $0xffff;
	[tilespmem:s6+$0xFFFFFFD0] =	vst v8  }
0x6a: {  	[tilespmem:s6+$0xFFFFFFE0] =	vst v5  }
0x6b: {  	[tilespmem:s6+$0xFFFFFFF0] =	vst v4  }
0x6c: {  	s18 =	sshll.u32 s14, $0x14;
	[tilespmem:s6+$0x0] =	vst v3  }
0x6d: {  	s18 =	sor.u32 s12, s18;
	[tilespmem:s6+$0x10] =	vst v1  }
0x6e: {  	s18 =	sshrl.u32 s18, $0x3;
	[tilespmem:s6+$0x20] =	vst v0  }
0x6f: {  	s18 =	sadd.s32 s1, s18;
	[tilespmem:s6+$0xFFFFFFC0] =	vst v2;
	s6 =	sor.u32 $0x2, s16  }
0x70: {  	[hbm4b:s18+s21] =	stream.strided.scatter [tilespmem:s3], [sflag:$0x3], $0x1000, s22, s21, $0x38;
	[tilespmem:$0x1F900] =	vst v63  }
0x71: {  	s19 =	sshll.u32 s6, $0xC;
	_ =	swait.ge [sflag:s5], $0x1000  }
0x72: {  	s18 =	sand.u32 $0x3FFFF000, s19;
	[sflag:s5] =	ssyncset.done $0x0  }
0x73: {  	s18 =	sadd.s32 s18, s2;
	[sflag:s5] =	ssyncadd.s32 $0xFFFFF000  }
0x74: {  	[tilespmem:s30], [sflag:$0x1] =	stream.linear.gather [spmem:s18], $0x1000, $0x38;
	[tilespmem:$0x1F900] =	vst v63  }
0x75: {  	s18 =	simm.s32 @!p1 $0x4  }
0x76: {  	_ =	swait.ge @!p1 [sflag:s18], $0x1000  }
0x77: {  	[sflag:s18] =	ssyncset.done @!p1 $0x0  }
0x78: {  	s20 =	simm.s32 $0x1C940;
	[sflag:s18] =	ssyncadd.s32 @!p1 $0xFFFFF000  }
0x79: {  	v0 =	vld [tilespmem:s20+$0x30]  }
0x7a: {  	v1 =	vld [tilespmem:s20+$0xFFFFFFD0]  }
0x7b: {  	v2 =	vld [tilespmem:s20+$0xFFFFFFE0]  }
0x7c: {  	v3 =	vld [tilespmem:s20+$0xFFFFFFF0]  }
0x7d: {  	v6 =	vld [tilespmem:s20+$0x0]  }
0x7e: {  	v7 =	vld [tilespmem:s20+$0x10]  }
0x7f: {  	v8 =	vld [tilespmem:s20+$0x20]  }
0x80: {  	v9 =	vld [tilespmem:s20+$0xFFFFFFC0]  }
0x81: {  	v10 =	vld.idx.msk [tilespmem:v0+s4+$0x0], $0xffff  }
0x82: {  	v11 =	vld.idx.msk [tilespmem:v1+s4+$0x0], $0xffff  }
0x83: {  	v5 =	vld.idx.msk [tilespmem:v2+s4+$0x0], $0xffff  }
0x84: {  	v4 =	vld.idx.msk [tilespmem:v3+s4+$0x0], $0xffff  }
0x85: {  	v3 =	vld.idx.msk [tilespmem:v6+s4+$0x0], $0xffff  }
0x86: {  	s18 =	simm.s32 $0x1E940;
	v1 =	vld.idx.msk [tilespmem:v7+s4+$0x0], $0xffff  }
0x87: {  	v0 =	vld.idx.msk [tilespmem:v8+s4+$0x0], $0xffff;
	[tilespmem:s18+$0x30] =	vst v10  }
0x88: {  	s19 =	simm.s32 $0x0;
	s20 =	simm.s32 $0x1C9C0;
	v2 =	vld.idx.msk [tilespmem:v9+s4+$0x0], $0xffff;
	[tilespmem:s18+$0xFFFFFFD0] =	vst v11  }
.LBB2_5:
0x89: {  	v6 =	vld [tilespmem:s20+$0x30];
	s19 =	sadd.s32 $0x80, s19;
	[tilespmem:s18+$0xFFFFFFE0] =	vst v5  }
0x8a: {  	v5 =	vld [tilespmem:s20+$0xFFFFFFD0];
	p1 =	slt.u32 s19, $0xF80;
	[tilespmem:s18+$0xFFFFFFF0] =	vst v4  }
0x8b: {  	v4 =	vld [tilespmem:s20+$0xFFFFFFE0];
	[tilespmem:s18+$0x0] =	vst v3  }
0x8c: {  	v3 =	vld [tilespmem:s20+$0xFFFFFFF0];
	[tilespmem:s18+$0x10] =	vst v1  }
0x8d: {  	v1 =	vld [tilespmem:s20+$0x0];
	[tilespmem:s18+$0x20] =	vst v0  }
0x8e: {  	v0 =	vld [tilespmem:s20+$0x10];
	[tilespmem:s18+$0xFFFFFFC0] =	vst v2  }
0x8f: {  	v2 =	vld [tilespmem:s20+$0x20]  }
0x90: {  	v7 =	vld [tilespmem:s20+$0xFFFFFFC0]  }
0x91: {  	v6 =	vld.idx.msk [tilespmem:v6+s4+$0x0], $0xffff  }
0x92: {  	v8 =	vld.idx.msk [tilespmem:v5+s4+$0x0], $0xffff  }
0x93: {  	v5 =	vld.idx.msk [tilespmem:v4+s4+$0x0], $0xffff  }
.Ltmp1:
0x94: {  	v4 =	vld.idx.msk [tilespmem:v3+s4+$0x0], $0xffff;
	(pc) =	sbr.rel @p1 .LBB2_5-.Ltmp1, $4  }
0x95: {  	v3 =	vld.idx.msk [tilespmem:v1+s4+$0x0], $0xffff  }
0x96: {  	s18 =	sadd.s32 $0x80, s18;
	v1 =	vld.idx.msk [tilespmem:v0+s4+$0x0], $0xffff  }
0x97: {  	v0 =	vld.idx.msk [tilespmem:v2+s4+$0x0], $0xffff;
	[tilespmem:s18+$0x30] =	vst v6  }
0x98: {  	s20 =	sadd.s32 $0x80, s20;
	v2 =	vld.idx.msk [tilespmem:v7+s4+$0x0], $0xffff;
	[tilespmem:s18+$0xFFFFFFD0] =	vst v8  }
0x99: {  	[tilespmem:s18+$0xFFFFFFE0] =	vst v5  }
0x9a: {  	[tilespmem:s18+$0xFFFFFFF0] =	vst v4  }
0x9b: {  	s17 =	sshll.u32 s17, $0x12;
	[tilespmem:s18+$0x0] =	vst v3  }
0x9c: {  	s17 =	sor.u32 s12, s17;
	[tilespmem:s18+$0x10] =	vst v1  }
0x9d: {  	s17 =	sshrl.u32 s17, $0x3;
	[tilespmem:s18+$0x20] =	vst v0  }
0x9e: {  	s16 =	sor.u32 $0x3, s16;
	s17 =	sadd.s32 s1, s17;
	[tilespmem:s18+$0xFFFFFFC0] =	vst v2  }
0x9f: {  	[hbm4b:s17+s21] =	stream.strided.scatter [tilespmem:s7], [sflag:$0x4], $0x1000, s22, s21, $0x38;
	[tilespmem:$0x1F900] =	vst v63  }
0xa0: {  	s19 =	sshll.u32 s16, $0xC;
	_ =	swait.ge [sflag:s26], $0x1000  }
0xa1: {  	s17 =	sand.u32 $0x3FFFF000, s19;
	[sflag:s26] =	ssyncset.done $0x0  }
0xa2: {  	s17 =	sadd.s32 s17, s2;
	[sflag:s26] =	ssyncadd.s32 $0xFFFFF000  }
0xa3: {  	[tilespmem:s0], [sflag:$0x2] =	stream.linear.gather [spmem:s17], $0x1000, $0x38;
	[tilespmem:$0x1F900] =	vst v63  }
0xa4: {  	_ =	swait.ge [sflag:s9], $0x1000  }
0xa5: {  	[sflag:s9] =	ssyncset.done $0x0  }
0xa6: {  	s20 =	simm.s32 $0x1B940;
	[sflag:s9] =	ssyncadd.s32 $0xFFFFF000  }
0xa7: {  	v0 =	vld [tilespmem:s20+$0x30]  }
0xa8: {  	v1 =	vld [tilespmem:s20+$0xFFFFFFD0]  }
0xa9: {  	v2 =	vld [tilespmem:s20+$0xFFFFFFE0]  }
0xaa: {  	v3 =	vld [tilespmem:s20+$0xFFFFFFF0]  }
0xab: {  	v6 =	vld [tilespmem:s20+$0x0]  }
0xac: {  	v7 =	vld [tilespmem:s20+$0x10]  }
0xad: {  	v8 =	vld [tilespmem:s20+$0x20]  }
0xae: {  	v9 =	vld [tilespmem:s20+$0xFFFFFFC0]  }
0xaf: {  	v10 =	vld.idx.msk [tilespmem:v0+s4+$0x0], $0xffff  }
0xb0: {  	v11 =	vld.idx.msk [tilespmem:v1+s4+$0x0], $0xffff  }
0xb1: {  	v5 =	vld.idx.msk [tilespmem:v2+s4+$0x0], $0xffff  }
0xb2: {  	v4 =	vld.idx.msk [tilespmem:v3+s4+$0x0], $0xffff  }
0xb3: {  	v3 =	vld.idx.msk [tilespmem:v6+s4+$0x0], $0xffff  }
0xb4: {  	s17 =	simm.s32 $0x1D940;
	v1 =	vld.idx.msk [tilespmem:v7+s4+$0x0], $0xffff  }
0xb5: {  	v0 =	vld.idx.msk [tilespmem:v8+s4+$0x0], $0xffff;
	[tilespmem:s17+$0x30] =	vst v10  }
0xb6: {  	s18 =	simm.s32 $0x0;
	s19 =	simm.s32 $0x1B9C0;
	v2 =	vld.idx.msk [tilespmem:v9+s4+$0x0], $0xffff;
	[tilespmem:s17+$0xFFFFFFD0] =	vst v11  }
.LBB2_7:
0xb7: {  	v6 =	vld [tilespmem:s19+$0x30];
	s18 =	sadd.s32 $0x80, s18;
	[tilespmem:s17+$0xFFFFFFE0] =	vst v5  }
0xb8: {  	v5 =	vld [tilespmem:s19+$0xFFFFFFD0];
	p1 =	slt.u32 s18, $0xF80;
	[tilespmem:s17+$0xFFFFFFF0] =	vst v4  }
0xb9: {  	v4 =	vld [tilespmem:s19+$0xFFFFFFE0];
	[tilespmem:s17+$0x0] =	vst v3  }
0xba: {  	v3 =	vld [tilespmem:s19+$0xFFFFFFF0];
	[tilespmem:s17+$0x10] =	vst v1  }
0xbb: {  	v1 =	vld [tilespmem:s19+$0x0];
	[tilespmem:s17+$0x20] =	vst v0  }
0xbc: {  	v0 =	vld [tilespmem:s19+$0x10];
	[tilespmem:s17+$0xFFFFFFC0] =	vst v2  }
0xbd: {  	v2 =	vld [tilespmem:s19+$0x20]  }
0xbe: {  	v7 =	vld [tilespmem:s19+$0xFFFFFFC0]  }
0xbf: {  	v6 =	vld.idx.msk [tilespmem:v6+s4+$0x0], $0xffff  }
0xc0: {  	v8 =	vld.idx.msk [tilespmem:v5+s4+$0x0], $0xffff  }
0xc1: {  	v5 =	vld.idx.msk [tilespmem:v4+s4+$0x0], $0xffff  }
.Ltmp2:
0xc2: {  	v4 =	vld.idx.msk [tilespmem:v3+s4+$0x0], $0xffff;
	(pc) =	sbr.rel @p1 .LBB2_7-.Ltmp2, $4  }
0xc3: {  	v3 =	vld.idx.msk [tilespmem:v1+s4+$0x0], $0xffff  }
0xc4: {  	s17 =	sadd.s32 $0x80, s17;
	v1 =	vld.idx.msk [tilespmem:v0+s4+$0x0], $0xffff  }
0xc5: {  	v0 =	vld.idx.msk [tilespmem:v2+s4+$0x0], $0xffff;
	[tilespmem:s17+$0x30] =	vst v6  }
0xc6: {  	s19 =	sadd.s32 $0x80, s19;
	v2 =	vld.idx.msk [tilespmem:v7+s4+$0x0], $0xffff;
	[tilespmem:s17+$0xFFFFFFD0] =	vst v8  }
0xc7: {  	[tilespmem:s17+$0xFFFFFFE0] =	vst v5  }
0xc8: {  	[tilespmem:s17+$0xFFFFFFF0] =	vst v4  }
0xc9: {  	s6 =	sshll.u32 s6, $0x12;
	[tilespmem:s17+$0x0] =	vst v3  }
0xca: {  	s6 =	sor.u32 s12, s6;
	[tilespmem:s17+$0x10] =	vst v1  }
0xcb: {  	s6 =	sshrl.u32 s6, $0x3;
	[tilespmem:s17+$0x20] =	vst v0  }
0xcc: {  	s19 =	sshll.u32 s14, $0xE;
	s6 =	sadd.s32 s1, s6;
	[tilespmem:s17+$0xFFFFFFC0] =	vst v2  }
0xcd: {  	[hbm4b:s6+s21] =	stream.strided.scatter [tilespmem:s3], [sflag:$0x3], $0x1000, s22, s21, $0x38;
	[tilespmem:$0x1F900] =	vst v63  }
0xce: {  	s6 =	sand.u32 $0x3FFFC000, s19;
	_ =	swait.ge [sflag:s5], $0x1000  }
0xcf: {  	s6 =	sadd.s32 s6, s2;
	[sflag:s5] =	ssyncset.done $0x0  }
0xd0: {  	s6 =	sadd.s32 $0x4000, s6;
	[sflag:s5] =	ssyncadd.s32 $0xFFFFF000  }
0xd1: {  	[tilespmem:s30], [sflag:$0x1] =	stream.linear.gather [spmem:s6], $0x1000, $0x38;
	[tilespmem:$0x1F900] =	vst v63  }
0xd2: {  	_ =	swait.ge [sflag:s10], $0x1000  }
0xd3: {  	[sflag:s10] =	ssyncset.done $0x0  }
0xd4: {  	s20 =	simm.s32 $0x1C940;
	[sflag:s10] =	ssyncadd.s32 $0xFFFFF000  }
0xd5: {  	v0 =	vld [tilespmem:s20+$0x30]  }
0xd6: {  	v1 =	vld [tilespmem:s20+$0xFFFFFFD0]  }
0xd7: {  	v2 =	vld [tilespmem:s20+$0xFFFFFFE0]  }
0xd8: {  	v3 =	vld [tilespmem:s20+$0xFFFFFFF0]  }
0xd9: {  	v6 =	vld [tilespmem:s20+$0x0]  }
0xda: {  	v7 =	vld [tilespmem:s20+$0x10]  }
0xdb: {  	v8 =	vld [tilespmem:s20+$0x20]  }
0xdc: {  	v9 =	vld [tilespmem:s20+$0xFFFFFFC0]  }
0xdd: {  	v10 =	vld.idx.msk [tilespmem:v0+s4+$0x0], $0xffff  }
0xde: {  	v11 =	vld.idx.msk [tilespmem:v1+s4+$0x0], $0xffff  }
0xdf: {  	v5 =	vld.idx.msk [tilespmem:v2+s4+$0x0], $0xffff  }
0xe0: {  	v4 =	vld.idx.msk [tilespmem:v3+s4+$0x0], $0xffff  }
0xe1: {  	v3 =	vld.idx.msk [tilespmem:v6+s4+$0x0], $0xffff  }
0xe2: {  	s6 =	simm.s32 $0x1E940;
	v1 =	vld.idx.msk [tilespmem:v7+s4+$0x0], $0xffff  }
0xe3: {  	v0 =	vld.idx.msk [tilespmem:v8+s4+$0x0], $0xffff;
	[tilespmem:s6+$0x30] =	vst v10  }
0xe4: {  	s18 =	simm.s32 $0x1C9C0;
	s17 =	simm.s32 $0x0;
	v2 =	vld.idx.msk [tilespmem:v9+s4+$0x0], $0xffff;
	[tilespmem:s6+$0xFFFFFFD0] =	vst v11  }
.LBB2_9:
0xe5: {  	v6 =	vld [tilespmem:s18+$0x30];
	s17 =	sadd.s32 $0x80, s17;
	[tilespmem:s6+$0xFFFFFFE0] =	vst v5  }
0xe6: {  	v5 =	vld [tilespmem:s18+$0xFFFFFFD0];
	p1 =	slt.u32 s17, $0xF80;
	[tilespmem:s6+$0xFFFFFFF0] =	vst v4  }
0xe7: {  	v4 =	vld [tilespmem:s18+$0xFFFFFFE0];
	[tilespmem:s6+$0x0] =	vst v3  }
0xe8: {  	v3 =	vld [tilespmem:s18+$0xFFFFFFF0];
	[tilespmem:s6+$0x10] =	vst v1  }
0xe9: {  	v1 =	vld [tilespmem:s18+$0x0];
	[tilespmem:s6+$0x20] =	vst v0  }
0xea: {  	v0 =	vld [tilespmem:s18+$0x10];
	[tilespmem:s6+$0xFFFFFFC0] =	vst v2  }
0xeb: {  	v2 =	vld [tilespmem:s18+$0x20]  }
0xec: {  	v7 =	vld [tilespmem:s18+$0xFFFFFFC0]  }
0xed: {  	v6 =	vld.idx.msk [tilespmem:v6+s4+$0x0], $0xffff  }
0xee: {  	v8 =	vld.idx.msk [tilespmem:v5+s4+$0x0], $0xffff  }
0xef: {  	v5 =	vld.idx.msk [tilespmem:v4+s4+$0x0], $0xffff  }
.Ltmp3:
0xf0: {  	v4 =	vld.idx.msk [tilespmem:v3+s4+$0x0], $0xffff;
	(pc) =	sbr.rel @p1 .LBB2_9-.Ltmp3, $4  }
0xf1: {  	v3 =	vld.idx.msk [tilespmem:v1+s4+$0x0], $0xffff  }
0xf2: {  	s6 =	sadd.s32 $0x80, s6;
	v1 =	vld.idx.msk [tilespmem:v0+s4+$0x0], $0xffff  }
0xf3: {  	v0 =	vld.idx.msk [tilespmem:v2+s4+$0x0], $0xffff;
	[tilespmem:s6+$0x30] =	vst v6  }
0xf4: {  	s18 =	sadd.s32 $0x80, s18;
	v2 =	vld.idx.msk [tilespmem:v7+s4+$0x0], $0xffff;
	[tilespmem:s6+$0xFFFFFFD0] =	vst v8  }
0xf5: {  	[tilespmem:s6+$0xFFFFFFE0] =	vst v5;
	s14 =	sadd.s32 $0x1, s14  }
0xf6: {  	[tilespmem:s6+$0xFFFFFFF0] =	vst v4;
	p1 =	sne.s32 s14, $0xC  }
.Ltmp4:
0xf7: {  	s16 =	sshll.u32 s16, $0x12;
	[tilespmem:s6+$0x0] =	vst v3;
	(pc) =	sbr.rel @p1 .LBB2_2-.Ltmp4, $4  }
0xf8: {  	s16 =	sor.u32 s12, s16;
	[tilespmem:s6+$0x10] =	vst v1  }
0xf9: {  	s16 =	sshrl.u32 s16, $0x3;
	[tilespmem:s6+$0x20] =	vst v0  }
0xfa: {  	s20 =	sadd.s32 s1, s16;
	[tilespmem:s6+$0xFFFFFFC0] =	vst v2  }
0xfb: {  	[hbm4b:s20+s21] =	stream.strided.scatter [tilespmem:s7], [sflag:$0x4], $0x1000, s22, s21, $0x38;
	[tilespmem:$0x1F900] =	vst v63  }
0xfc: {  	_ =	swait.ge [sflag:s26], $0x1000  }
0xfd: {  	[sflag:s26] =	ssyncset.done $0x0  }
0xfe: {  	[sflag:s26] =	ssyncadd.s32 $0xFFFFF000  }
0xff: {  	[tilespmem:s0], [sflag:$0x2] =	stream.linear.gather [spmem:s13], $0x1000, $0x38;
	[tilespmem:$0x1F900] =	vst v63  }
0x100: {  	_ =	swait.ge [sflag:s9], $0x1000  }
0x101: {  	[sflag:s9] =	ssyncset.done $0x0  }
0x102: {  	s6 =	simm.s32 $0x1B940;
	[sflag:s9] =	ssyncadd.s32 $0xFFFFF000  }
0x103: {  	v0 =	vld [tilespmem:s6+$0x30]  }
0x104: {  	v1 =	vld [tilespmem:s6+$0xFFFFFFD0]  }
0x105: {  	v2 =	vld [tilespmem:s6+$0xFFFFFFE0]  }
0x106: {  	v3 =	vld [tilespmem:s6+$0xFFFFFFF0]  }
0x107: {  	v4 =	vld [tilespmem:s6+$0x0]  }
0x108: {  	v6 =	vld [tilespmem:s6+$0x10]  }
0x109: {  	v7 =	vld [tilespmem:s6+$0x20]  }
0x10a: {  	v8 =	vld [tilespmem:s6+$0xFFFFFFC0]  }
0x10b: {  	v9 =	vld.idx.msk [tilespmem:v0+s4+$0x0], $0xffff  }
0x10c: {  	v10 =	vld.idx.msk [tilespmem:v1+s4+$0x0], $0xffff  }
0x10d: {  	v5 =	vld.idx.msk [tilespmem:v2+s4+$0x0], $0xffff  }
0x10e: {  	v3 =	vld.idx.msk [tilespmem:v3+s4+$0x0], $0xffff  }
0x10f: {  	v0 =	vld.idx.msk [tilespmem:v4+s4+$0x0], $0xffff  }
0x110: {  	s6 =	simm.s32 $0x1D940;
	v1 =	vld.idx.msk [tilespmem:v6+s4+$0x0], $0xffff  }
0x111: {  	v2 =	vld.idx.msk [tilespmem:v7+s4+$0x0], $0xffff;
	[tilespmem:s6+$0x30] =	vst v9  }
0x112: {  	s14 =	simm.s32 $0x0;
	s16 =	simm.s32 $0x1B9C0;
	v4 =	vld.idx.msk [tilespmem:v8+s4+$0x0], $0xffff;
	[tilespmem:s6+$0xFFFFFFD0] =	vst v10  }
.LBB2_12:
0x113: {  	v6 =	vld [tilespmem:s16+$0x30];
	s14 =	sadd.s32 $0x80, s14;
	[tilespmem:s6+$0xFFFFFFE0] =	vst v5  }
0x114: {  	v5 =	vld [tilespmem:s16+$0xFFFFFFD0];
	p1 =	slt.u32 s14, $0xF80;
	[tilespmem:s6+$0xFFFFFFF0] =	vst v3  }
0x115: {  	v3 =	vld [tilespmem:s16+$0xFFFFFFE0];
	[tilespmem:s6+$0x0] =	vst v0  }
0x116: {  	v0 =	vld [tilespmem:s16+$0xFFFFFFF0];
	[tilespmem:s6+$0x10] =	vst v1  }
0x117: {  	v1 =	vld [tilespmem:s16+$0x0];
	[tilespmem:s6+$0x20] =	vst v2  }
0x118: {  	v2 =	vld [tilespmem:s16+$0x10];
	[tilespmem:s6+$0xFFFFFFC0] =	vst v4  }
0x119: {  	v4 =	vld [tilespmem:s16+$0x20]  }
0x11a: {  	v7 =	vld [tilespmem:s16+$0xFFFFFFC0]  }
0x11b: {  	v6 =	vld.idx.msk [tilespmem:v6+s4+$0x0], $0xffff  }
0x11c: {  	v8 =	vld.idx.msk [tilespmem:v5+s4+$0x0], $0xffff  }
0x11d: {  	v5 =	vld.idx.msk [tilespmem:v3+s4+$0x0], $0xffff  }
.Ltmp5:
0x11e: {  	v3 =	vld.idx.msk [tilespmem:v0+s4+$0x0], $0xffff;
	(pc) =	sbr.rel @p1 .LBB2_12-.Ltmp5, $4  }
0x11f: {  	v0 =	vld.idx.msk [tilespmem:v1+s4+$0x0], $0xffff  }
0x120: {  	s6 =	sadd.s32 $0x80, s6;
	v1 =	vld.idx.msk [tilespmem:v2+s4+$0x0], $0xffff  }
0x121: {  	v2 =	vld.idx.msk [tilespmem:v4+s4+$0x0], $0xffff;
	[tilespmem:s6+$0x30] =	vst v6  }
0x122: {  	s16 =	sadd.s32 $0x80, s16;
	v4 =	vld.idx.msk [tilespmem:v7+s4+$0x0], $0xffff;
	[tilespmem:s6+$0xFFFFFFD0] =	vst v8  }
0x123: {  	[tilespmem:s6+$0xFFFFFFE0] =	vst v5  }
0x124: {  	[tilespmem:s6+$0xFFFFFFF0] =	vst v3  }
0x125: {  	[tilespmem:s6+$0x0] =	vst v0  }
0x126: {  	[tilespmem:s6+$0x10] =	vst v1  }
0x127: {  	[tilespmem:s6+$0x20] =	vst v2  }
0x128: {  	[tilespmem:s6+$0xFFFFFFC0] =	vst v4  }
0x129: {  	s6 =	rddreg [dreg:$0xb]  }
0x12a: {  	[hbm4b:s6+s21] =	stream.strided.scatter [tilespmem:s3], [sflag:$0x3], $0x1000, s22, s21, $0x38;
	[tilespmem:$0x1F900] =	vst v63  }
0x12b: {  	_ =	swait.ge [sflag:s5], $0x1000  }
0x12c: {  	[sflag:s5] =	ssyncset.done $0x0  }
0x12d: {  	[sflag:s5] =	ssyncadd.s32 $0xFFFFF000  }
0x12e: {  	_ =	swait.ge [sflag:s10], $0x1000  }
0x12f: {  	[sflag:s10] =	ssyncset.done $0x0  }
0x130: {  	s20 =	simm.s32 $0x1C940;
	[sflag:s10] =	ssyncadd.s32 $0xFFFFF000  }
0x131: {  	v0 =	vld [tilespmem:s20+$0x30]  }
0x132: {  	v1 =	vld [tilespmem:s20+$0xFFFFFFD0]  }
0x133: {  	v2 =	vld [tilespmem:s20+$0xFFFFFFE0]  }
0x134: {  	v3 =	vld [tilespmem:s20+$0xFFFFFFF0]  }
0x135: {  	v4 =	vld [tilespmem:s20+$0x0]  }
0x136: {  	v6 =	vld [tilespmem:s20+$0x10]  }
0x137: {  	v7 =	vld [tilespmem:s20+$0x20]  }
0x138: {  	v8 =	vld [tilespmem:s20+$0xFFFFFFC0]  }
0x139: {  	v9 =	vld.idx.msk [tilespmem:v0+s4+$0x0], $0xffff  }
0x13a: {  	v10 =	vld.idx.msk [tilespmem:v1+s4+$0x0], $0xffff  }
0x13b: {  	v5 =	vld.idx.msk [tilespmem:v2+s4+$0x0], $0xffff  }
0x13c: {  	v3 =	vld.idx.msk [tilespmem:v3+s4+$0x0], $0xffff  }
0x13d: {  	v0 =	vld.idx.msk [tilespmem:v4+s4+$0x0], $0xffff  }
0x13e: {  	s6 =	simm.s32 $0x1E940;
	v1 =	vld.idx.msk [tilespmem:v6+s4+$0x0], $0xffff  }
0x13f: {  	v2 =	vld.idx.msk [tilespmem:v7+s4+$0x0], $0xffff;
	[tilespmem:s6+$0x30] =	vst v9  }
0x140: {  	s14 =	simm.s32 $0x0;
	s16 =	simm.s32 $0x1C9C0;
	v4 =	vld.idx.msk [tilespmem:v8+s4+$0x0], $0xffff;
	[tilespmem:s6+$0xFFFFFFD0] =	vst v10  }
.LBB2_14:
0x141: {  	v6 =	vld [tilespmem:s16+$0x30];
	s14 =	sadd.s32 $0x80, s14;
	[tilespmem:s6+$0xFFFFFFE0] =	vst v5  }
0x142: {  	v5 =	vld [tilespmem:s16+$0xFFFFFFD0];
	p1 =	slt.u32 s14, $0xF80;
	[tilespmem:s6+$0xFFFFFFF0] =	vst v3  }
0x143: {  	v3 =	vld [tilespmem:s16+$0xFFFFFFE0];
	[tilespmem:s6+$0x0] =	vst v0  }
0x144: {  	v0 =	vld [tilespmem:s16+$0xFFFFFFF0];
	[tilespmem:s6+$0x10] =	vst v1  }
0x145: {  	v1 =	vld [tilespmem:s16+$0x0];
	[tilespmem:s6+$0x20] =	vst v2  }
0x146: {  	v2 =	vld [tilespmem:s16+$0x10];
	[tilespmem:s6+$0xFFFFFFC0] =	vst v4  }
0x147: {  	v4 =	vld [tilespmem:s16+$0x20]  }
0x148: {  	v7 =	vld [tilespmem:s16+$0xFFFFFFC0]  }
0x149: {  	v6 =	vld.idx.msk [tilespmem:v6+s4+$0x0], $0xffff  }
0x14a: {  	v8 =	vld.idx.msk [tilespmem:v5+s4+$0x0], $0xffff  }
0x14b: {  	v5 =	vld.idx.msk [tilespmem:v3+s4+$0x0], $0xffff  }
.Ltmp6:
0x14c: {  	v3 =	vld.idx.msk [tilespmem:v0+s4+$0x0], $0xffff;
	(pc) =	sbr.rel @p1 .LBB2_14-.Ltmp6, $4  }
0x14d: {  	v0 =	vld.idx.msk [tilespmem:v1+s4+$0x0], $0xffff  }
0x14e: {  	s6 =	sadd.s32 $0x80, s6;
	v1 =	vld.idx.msk [tilespmem:v2+s4+$0x0], $0xffff  }
0x14f: {  	v2 =	vld.idx.msk [tilespmem:v4+s4+$0x0], $0xffff;
	[tilespmem:s6+$0x30] =	vst v6  }
0x150: {  	s16 =	sadd.s32 $0x80, s16;
	v4 =	vld.idx.msk [tilespmem:v7+s4+$0x0], $0xffff;
	[tilespmem:s6+$0xFFFFFFD0] =	vst v8  }
0x151: {  	[tilespmem:s6+$0xFFFFFFE0] =	vst v5  }
0x152: {  	[tilespmem:s6+$0xFFFFFFF0] =	vst v3  }
0x153: {  	[tilespmem:s6+$0x0] =	vst v0  }
0x154: {  	[tilespmem:s6+$0x10] =	vst v1  }
0x155: {  	[tilespmem:s6+$0x20] =	vst v2  }
0x156: {  	[tilespmem:s6+$0xFFFFFFC0] =	vst v4  }
0x157: {  	s6 =	rddreg [dreg:$0xc]  }
0x158: {  	[hbm4b:s6+s21] =	stream.strided.scatter [tilespmem:s7], [sflag:$0x4], $0x1000, s22, s21, $0x38;
	[tilespmem:$0x1F900] =	vst v63  }
0x159: {  	s14 =	simm.s32 $0x0;
	s20 =	rddreg [dreg:$0xd]  }
0x15a: {  	[tilespmem:s14], [sflag:$0x6] =	stream.strided.gather [hbm4b:s20+s21], $0x18700, s22, s21, $0x38;
	[tilespmem:$0x1F900] =	vst v63  }
0x15b: {  	_ =	swait.ge [sflag:s9], $0x1000  }
0x15c: {  	[sflag:s9] =	ssyncset.done $0x0  }
0x15d: {  	[sflag:s9] =	ssyncadd.s32 $0xFFFFF000  }
0x15e: {  	_ =	swait.ge [sflag:s10], $0x1000  }
0x15f: {  	[sflag:s10] =	ssyncset.done $0x0  }
0x160: {  	[sflag:s10] =	ssyncadd.s32 $0xFFFFF000  }
0x161: {  	[tilespmem:s30], [sflag:$0x1] =	stream.linear.gather [spmem:s2], $0x1000, $0x38;
	[tilespmem:$0x1F900] =	vst v63  }
0x162: {  	_ =	swait.ge [sflag:s31], $0x18700  }
0x163: {  	[sflag:s31] =	ssyncset.done $0x0  }
0x164: {  	[sflag:s31] =	ssyncadd.s32 $0xFFFE7900  }
.LBB2_16:
0x165: {  	s16 =	sshll.u32 s14, $0x2  }
0x166: {  	s17 =	sor.u32 $0x1, s16  }
0x167: {  	_ =	swait.ge [sflag:s26], $0x1000;
	s6 =	sshll.u32 s17, $0xC  }
0x168: {  	[sflag:s26] =	ssyncset.done $0x0;
	s6 =	sand.u32 $0x3FFFD000, s6  }
0x169: {  	p1 =	seq.s32 s14, $0x0;
	[sflag:s26] =	ssyncadd.s32 $0xFFFFF000;
	s6 =	sadd.s32 s6, s2  }
0x16a: {  	[tilespmem:s0], [sflag:$0x2] =	stream.linear.gather [spmem:s6], $0x1000, $0x38;
	[tilespmem:$0x1F900] =	vst v63  }
0x16b: {  	s6 =	simm.s32 @!p1 $0x3  }
0x16c: {  	_ =	swait.ge @!p1 [sflag:s6], $0x1000  }
0x16d: {  	[sflag:s6] =	ssyncset.done @!p1 $0x0  }
0x16e: {  	s20 =	simm.s32 $0x1B940;
	[sflag:s6] =	ssyncadd.s32 @!p1 $0xFFFFF000  }
0x16f: {  	v0 =	vld [tilespmem:s20+$0x30]  }
0x170: {  	v1 =	vld [tilespmem:s20+$0xFFFFFFD0]  }
0x171: {  	v2 =	vld [tilespmem:s20+$0xFFFFFFE0]  }
0x172: {  	v3 =	vld [tilespmem:s20+$0xFFFFFFF0]  }
0x173: {  	v6 =	vld [tilespmem:s20+$0x0]  }
0x174: {  	v7 =	vld [tilespmem:s20+$0x10]  }
0x175: {  	v8 =	vld [tilespmem:s20+$0x20]  }
0x176: {  	v9 =	vld [tilespmem:s20+$0xFFFFFFC0]  }
0x177: {  	v10 =	vld.idx.msk [tilespmem:v0+s4+$0x0], $0xffff  }
0x178: {  	v11 =	vld.idx.msk [tilespmem:v1+s4+$0x0], $0xffff  }
0x179: {  	v5 =	vld.idx.msk [tilespmem:v2+s4+$0x0], $0xffff  }
0x17a: {  	v4 =	vld.idx.msk [tilespmem:v3+s4+$0x0], $0xffff  }
0x17b: {  	v3 =	vld.idx.msk [tilespmem:v6+s4+$0x0], $0xffff  }
0x17c: {  	s6 =	simm.s32 $0x1D940;
	v1 =	vld.idx.msk [tilespmem:v7+s4+$0x0], $0xffff  }
0x17d: {  	v0 =	vld.idx.msk [tilespmem:v8+s4+$0x0], $0xffff;
	[tilespmem:s6+$0x30] =	vst v10  }
0x17e: {  	s18 =	simm.s32 $0x0;
	s19 =	simm.s32 $0x1B9C0;
	v2 =	vld.idx.msk [tilespmem:v9+s4+$0x0], $0xffff;
	[tilespmem:s6+$0xFFFFFFD0] =	vst v11  }
.LBB2_17:
0x17f: {  	v6 =	vld [tilespmem:s19+$0x30];
	s18 =	sadd.s32 $0x80, s18;
	[tilespmem:s6+$0xFFFFFFE0] =	vst v5  }
0x180: {  	v5 =	vld [tilespmem:s19+$0xFFFFFFD0];
	p2 =	slt.u32 s18, $0xF80;
	[tilespmem:s6+$0xFFFFFFF0] =	vst v4  }
0x181: {  	v4 =	vld [tilespmem:s19+$0xFFFFFFE0];
	[tilespmem:s6+$0x0] =	vst v3  }
0x182: {  	v3 =	vld [tilespmem:s19+$0xFFFFFFF0];
	[tilespmem:s6+$0x10] =	vst v1  }
0x183: {  	v1 =	vld [tilespmem:s19+$0x0];
	[tilespmem:s6+$0x20] =	vst v0  }
0x184: {  	v0 =	vld [tilespmem:s19+$0x10];
	[tilespmem:s6+$0xFFFFFFC0] =	vst v2  }
0x185: {  	v2 =	vld [tilespmem:s19+$0x20]  }
0x186: {  	v7 =	vld [tilespmem:s19+$0xFFFFFFC0]  }
0x187: {  	v6 =	vld.idx.msk [tilespmem:v6+s4+$0x0], $0xffff  }
0x188: {  	v8 =	vld.idx.msk [tilespmem:v5+s4+$0x0], $0xffff  }
0x189: {  	v5 =	vld.idx.msk [tilespmem:v4+s4+$0x0], $0xffff  }
.Ltmp7:
0x18a: {  	v4 =	vld.idx.msk [tilespmem:v3+s4+$0x0], $0xffff;
	(pc) =	sbr.rel @p2 .LBB2_17-.Ltmp7, $4  }
0x18b: {  	v3 =	vld.idx.msk [tilespmem:v1+s4+$0x0], $0xffff  }
0x18c: {  	s6 =	sadd.s32 $0x80, s6;
	v1 =	vld.idx.msk [tilespmem:v0+s4+$0x0], $0xffff  }
0x18d: {  	v0 =	vld.idx.msk [tilespmem:v2+s4+$0x0], $0xffff;
	[tilespmem:s6+$0x30] =	vst v6  }
0x18e: {  	s19 =	sadd.s32 $0x80, s19;
	v2 =	vld.idx.msk [tilespmem:v7+s4+$0x0], $0xffff;
	[tilespmem:s6+$0xFFFFFFD0] =	vst v8  }
0x18f: {  	[tilespmem:s6+$0xFFFFFFE0] =	vst v5  }
0x190: {  	[tilespmem:s6+$0xFFFFFFF0] =	vst v4  }
0x191: {  	s18 =	sshll.u32 s14, $0x14;
	[tilespmem:s6+$0x0] =	vst v3  }
0x192: {  	s18 =	sor.u32 s15, s18;
	[tilespmem:s6+$0x10] =	vst v1  }
0x193: {  	s18 =	sshrl.u32 s18, $0x3;
	[tilespmem:s6+$0x20] =	vst v0  }
0x194: {  	s18 =	sadd.s32 s1, s18;
	[tilespmem:s6+$0xFFFFFFC0] =	vst v2;
	s6 =	sor.u32 $0x2, s16  }
0x195: {  	[hbm4b:s18+s21] =	stream.strided.scatter [tilespmem:s3], [sflag:$0x3], $0x1000, s22, s21, $0x38;
	[tilespmem:$0x1F900] =	vst v63  }
0x196: {  	s19 =	sshll.u32 s6, $0xC;
	_ =	swait.ge [sflag:s5], $0x1000  }
0x197: {  	s18 =	sand.u32 $0x3FFFF000, s19;
	[sflag:s5] =	ssyncset.done $0x0  }
0x198: {  	s18 =	sadd.s32 s18, s2;
	[sflag:s5] =	ssyncadd.s32 $0xFFFFF000  }
0x199: {  	[tilespmem:s30], [sflag:$0x1] =	stream.linear.gather [spmem:s18], $0x1000, $0x38;
	[tilespmem:$0x1F900] =	vst v63  }
0x19a: {  	s18 =	simm.s32 @!p1 $0x4  }
0x19b: {  	_ =	swait.ge @!p1 [sflag:s18], $0x1000  }
0x19c: {  	[sflag:s18] =	ssyncset.done @!p1 $0x0  }
0x19d: {  	s20 =	simm.s32 $0x1C940;
	[sflag:s18] =	ssyncadd.s32 @!p1 $0xFFFFF000  }
0x19e: {  	v0 =	vld [tilespmem:s20+$0x30]  }
0x19f: {  	v1 =	vld [tilespmem:s20+$0xFFFFFFD0]  }
0x1a0: {  	v2 =	vld [tilespmem:s20+$0xFFFFFFE0]  }
0x1a1: {  	v3 =	vld [tilespmem:s20+$0xFFFFFFF0]  }
0x1a2: {  	v6 =	vld [tilespmem:s20+$0x0]  }
0x1a3: {  	v7 =	vld [tilespmem:s20+$0x10]  }
0x1a4: {  	v8 =	vld [tilespmem:s20+$0x20]  }
0x1a5: {  	v9 =	vld [tilespmem:s20+$0xFFFFFFC0]  }
0x1a6: {  	v10 =	vld.idx.msk [tilespmem:v0+s4+$0x0], $0xffff  }
0x1a7: {  	v11 =	vld.idx.msk [tilespmem:v1+s4+$0x0], $0xffff  }
0x1a8: {  	v5 =	vld.idx.msk [tilespmem:v2+s4+$0x0], $0xffff  }
0x1a9: {  	v4 =	vld.idx.msk [tilespmem:v3+s4+$0x0], $0xffff  }
0x1aa: {  	v3 =	vld.idx.msk [tilespmem:v6+s4+$0x0], $0xffff  }
0x1ab: {  	s18 =	simm.s32 $0x1E940;
	v1 =	vld.idx.msk [tilespmem:v7+s4+$0x0], $0xffff  }
0x1ac: {  	v0 =	vld.idx.msk [tilespmem:v8+s4+$0x0], $0xffff;
	[tilespmem:s18+$0x30] =	vst v10  }
0x1ad: {  	s19 =	simm.s32 $0x0;
	s20 =	simm.s32 $0x1C9C0;
	v2 =	vld.idx.msk [tilespmem:v9+s4+$0x0], $0xffff;
	[tilespmem:s18+$0xFFFFFFD0] =	vst v11  }
.LBB2_19:
0x1ae: {  	v6 =	vld [tilespmem:s20+$0x30];
	s19 =	sadd.s32 $0x80, s19;
	[tilespmem:s18+$0xFFFFFFE0] =	vst v5  }
0x1af: {  	v5 =	vld [tilespmem:s20+$0xFFFFFFD0];
	p1 =	slt.u32 s19, $0xF80;
	[tilespmem:s18+$0xFFFFFFF0] =	vst v4  }
0x1b0: {  	v4 =	vld [tilespmem:s20+$0xFFFFFFE0];
	[tilespmem:s18+$0x0] =	vst v3  }
0x1b1: {  	v3 =	vld [tilespmem:s20+$0xFFFFFFF0];
	[tilespmem:s18+$0x10] =	vst v1  }
0x1b2: {  	v1 =	vld [tilespmem:s20+$0x0];
	[tilespmem:s18+$0x20] =	vst v0  }
0x1b3: {  	v0 =	vld [tilespmem:s20+$0x10];
	[tilespmem:s18+$0xFFFFFFC0] =	vst v2  }
0x1b4: {  	v2 =	vld [tilespmem:s20+$0x20]  }
0x1b5: {  	v7 =	vld [tilespmem:s20+$0xFFFFFFC0]  }
0x1b6: {  	v6 =	vld.idx.msk [tilespmem:v6+s4+$0x0], $0xffff  }
0x1b7: {  	v8 =	vld.idx.msk [tilespmem:v5+s4+$0x0], $0xffff  }
0x1b8: {  	v5 =	vld.idx.msk [tilespmem:v4+s4+$0x0], $0xffff  }
.Ltmp8:
0x1b9: {  	v4 =	vld.idx.msk [tilespmem:v3+s4+$0x0], $0xffff;
	(pc) =	sbr.rel @p1 .LBB2_19-.Ltmp8, $4  }
0x1ba: {  	v3 =	vld.idx.msk [tilespmem:v1+s4+$0x0], $0xffff  }
0x1bb: {  	s18 =	sadd.s32 $0x80, s18;
	v1 =	vld.idx.msk [tilespmem:v0+s4+$0x0], $0xffff  }
0x1bc: {  	v0 =	vld.idx.msk [tilespmem:v2+s4+$0x0], $0xffff;
	[tilespmem:s18+$0x30] =	vst v6  }
0x1bd: {  	s20 =	sadd.s32 $0x80, s20;
	v2 =	vld.idx.msk [tilespmem:v7+s4+$0x0], $0xffff;
	[tilespmem:s18+$0xFFFFFFD0] =	vst v8  }
0x1be: {  	[tilespmem:s18+$0xFFFFFFE0] =	vst v5  }
0x1bf: {  	[tilespmem:s18+$0xFFFFFFF0] =	vst v4  }
0x1c0: {  	s17 =	sshll.u32 s17, $0x12;
	[tilespmem:s18+$0x0] =	vst v3  }
0x1c1: {  	s17 =	sor.u32 s15, s17;
	[tilespmem:s18+$0x10] =	vst v1  }
0x1c2: {  	s17 =	sshrl.u32 s17, $0x3;
	[tilespmem:s18+$0x20] =	vst v0  }
0x1c3: {  	s16 =	sor.u32 $0x3, s16;
	s17 =	sadd.s32 s1, s17;
	[tilespmem:s18+$0xFFFFFFC0] =	vst v2  }
0x1c4: {  	[hbm4b:s17+s21] =	stream.strided.scatter [tilespmem:s7], [sflag:$0x4], $0x1000, s22, s21, $0x38;
	[tilespmem:$0x1F900] =	vst v63  }
0x1c5: {  	s19 =	sshll.u32 s16, $0xC;
	_ =	swait.ge [sflag:s26], $0x1000  }
0x1c6: {  	s17 =	sand.u32 $0x3FFFF000, s19;
	[sflag:s26] =	ssyncset.done $0x0  }
0x1c7: {  	s17 =	sadd.s32 s17, s2;
	[sflag:s26] =	ssyncadd.s32 $0xFFFFF000  }
0x1c8: {  	[tilespmem:s0], [sflag:$0x2] =	stream.linear.gather [spmem:s17], $0x1000, $0x38;
	[tilespmem:$0x1F900] =	vst v63  }
0x1c9: {  	_ =	swait.ge [sflag:s9], $0x1000  }
0x1ca: {  	[sflag:s9] =	ssyncset.done $0x0  }
0x1cb: {  	s20 =	simm.s32 $0x1B940;
	[sflag:s9] =	ssyncadd.s32 $0xFFFFF000  }
0x1cc: {  	v0 =	vld [tilespmem:s20+$0x30]  }
0x1cd: {  	v1 =	vld [tilespmem:s20+$0xFFFFFFD0]  }
0x1ce: {  	v2 =	vld [tilespmem:s20+$0xFFFFFFE0]  }
0x1cf: {  	v3 =	vld [tilespmem:s20+$0xFFFFFFF0]  }
0x1d0: {  	v6 =	vld [tilespmem:s20+$0x0]  }
0x1d1: {  	v7 =	vld [tilespmem:s20+$0x10]  }
0x1d2: {  	v8 =	vld [tilespmem:s20+$0x20]  }
0x1d3: {  	v9 =	vld [tilespmem:s20+$0xFFFFFFC0]  }
0x1d4: {  	v10 =	vld.idx.msk [tilespmem:v0+s4+$0x0], $0xffff  }
0x1d5: {  	v11 =	vld.idx.msk [tilespmem:v1+s4+$0x0], $0xffff  }
0x1d6: {  	v5 =	vld.idx.msk [tilespmem:v2+s4+$0x0], $0xffff  }
0x1d7: {  	v4 =	vld.idx.msk [tilespmem:v3+s4+$0x0], $0xffff  }
0x1d8: {  	v3 =	vld.idx.msk [tilespmem:v6+s4+$0x0], $0xffff  }
0x1d9: {  	s17 =	simm.s32 $0x1D940;
	v1 =	vld.idx.msk [tilespmem:v7+s4+$0x0], $0xffff  }
0x1da: {  	v0 =	vld.idx.msk [tilespmem:v8+s4+$0x0], $0xffff;
	[tilespmem:s17+$0x30] =	vst v10  }
0x1db: {  	s18 =	simm.s32 $0x0;
	s19 =	simm.s32 $0x1B9C0;
	v2 =	vld.idx.msk [tilespmem:v9+s4+$0x0], $0xffff;
	[tilespmem:s17+$0xFFFFFFD0] =	vst v11  }
.LBB2_21:
0x1dc: {  	v6 =	vld [tilespmem:s19+$0x30];
	s18 =	sadd.s32 $0x80, s18;
	[tilespmem:s17+$0xFFFFFFE0] =	vst v5  }
0x1dd: {  	v5 =	vld [tilespmem:s19+$0xFFFFFFD0];
	p1 =	slt.u32 s18, $0xF80;
	[tilespmem:s17+$0xFFFFFFF0] =	vst v4  }
0x1de: {  	v4 =	vld [tilespmem:s19+$0xFFFFFFE0];
	[tilespmem:s17+$0x0] =	vst v3  }
0x1df: {  	v3 =	vld [tilespmem:s19+$0xFFFFFFF0];
	[tilespmem:s17+$0x10] =	vst v1  }
0x1e0: {  	v1 =	vld [tilespmem:s19+$0x0];
	[tilespmem:s17+$0x20] =	vst v0  }
0x1e1: {  	v0 =	vld [tilespmem:s19+$0x10];
	[tilespmem:s17+$0xFFFFFFC0] =	vst v2  }
0x1e2: {  	v2 =	vld [tilespmem:s19+$0x20]  }
0x1e3: {  	v7 =	vld [tilespmem:s19+$0xFFFFFFC0]  }
0x1e4: {  	v6 =	vld.idx.msk [tilespmem:v6+s4+$0x0], $0xffff  }
0x1e5: {  	v8 =	vld.idx.msk [tilespmem:v5+s4+$0x0], $0xffff  }
0x1e6: {  	v5 =	vld.idx.msk [tilespmem:v4+s4+$0x0], $0xffff  }
.Ltmp9:
0x1e7: {  	v4 =	vld.idx.msk [tilespmem:v3+s4+$0x0], $0xffff;
	(pc) =	sbr.rel @p1 .LBB2_21-.Ltmp9, $4  }
0x1e8: {  	v3 =	vld.idx.msk [tilespmem:v1+s4+$0x0], $0xffff  }
0x1e9: {  	s17 =	sadd.s32 $0x80, s17;
	v1 =	vld.idx.msk [tilespmem:v0+s4+$0x0], $0xffff  }
0x1ea: {  	v0 =	vld.idx.msk [tilespmem:v2+s4+$0x0], $0xffff;
	[tilespmem:s17+$0x30] =	vst v6  }
0x1eb: {  	s19 =	sadd.s32 $0x80, s19;
	v2 =	vld.idx.msk [tilespmem:v7+s4+$0x0], $0xffff;
	[tilespmem:s17+$0xFFFFFFD0] =	vst v8  }
0x1ec: {  	[tilespmem:s17+$0xFFFFFFE0] =	vst v5  }
0x1ed: {  	[tilespmem:s17+$0xFFFFFFF0] =	vst v4  }
0x1ee: {  	s6 =	sshll.u32 s6, $0x12;
	[tilespmem:s17+$0x0] =	vst v3  }
0x1ef: {  	s6 =	sor.u32 s15, s6;
	[tilespmem:s17+$0x10] =	vst v1  }
0x1f0: {  	s6 =	sshrl.u32 s6, $0x3;
	[tilespmem:s17+$0x20] =	vst v0  }
0x1f1: {  	s19 =	sshll.u32 s14, $0xE;
	s6 =	sadd.s32 s1, s6;
	[tilespmem:s17+$0xFFFFFFC0] =	vst v2  }
0x1f2: {  	[hbm4b:s6+s21] =	stream.strided.scatter [tilespmem:s3], [sflag:$0x3], $0x1000, s22, s21, $0x38;
	[tilespmem:$0x1F900] =	vst v63  }
0x1f3: {  	s6 =	sand.u32 $0x3FFFC000, s19;
	_ =	swait.ge [sflag:s5], $0x1000  }
0x1f4: {  	s6 =	sadd.s32 s6, s2;
	[sflag:s5] =	ssyncset.done $0x0  }
0x1f5: {  	s6 =	sadd.s32 $0x4000, s6;
	[sflag:s5] =	ssyncadd.s32 $0xFFFFF000  }
0x1f6: {  	[tilespmem:s30], [sflag:$0x1] =	stream.linear.gather [spmem:s6], $0x1000, $0x38;
	[tilespmem:$0x1F900] =	vst v63  }
0x1f7: {  	_ =	swait.ge [sflag:s10], $0x1000  }
0x1f8: {  	[sflag:s10] =	ssyncset.done $0x0  }
0x1f9: {  	s20 =	simm.s32 $0x1C940;
	[sflag:s10] =	ssyncadd.s32 $0xFFFFF000  }
0x1fa: {  	v0 =	vld [tilespmem:s20+$0x30]  }
0x1fb: {  	v1 =	vld [tilespmem:s20+$0xFFFFFFD0]  }
0x1fc: {  	v2 =	vld [tilespmem:s20+$0xFFFFFFE0]  }
0x1fd: {  	v3 =	vld [tilespmem:s20+$0xFFFFFFF0]  }
0x1fe: {  	v6 =	vld [tilespmem:s20+$0x0]  }
0x1ff: {  	v7 =	vld [tilespmem:s20+$0x10]  }
0x200: {  	v8 =	vld [tilespmem:s20+$0x20]  }
0x201: {  	v9 =	vld [tilespmem:s20+$0xFFFFFFC0]  }
0x202: {  	v10 =	vld.idx.msk [tilespmem:v0+s4+$0x0], $0xffff  }
0x203: {  	v11 =	vld.idx.msk [tilespmem:v1+s4+$0x0], $0xffff  }
0x204: {  	v5 =	vld.idx.msk [tilespmem:v2+s4+$0x0], $0xffff  }
0x205: {  	v4 =	vld.idx.msk [tilespmem:v3+s4+$0x0], $0xffff  }
0x206: {  	v3 =	vld.idx.msk [tilespmem:v6+s4+$0x0], $0xffff  }
0x207: {  	s6 =	simm.s32 $0x1E940;
	v1 =	vld.idx.msk [tilespmem:v7+s4+$0x0], $0xffff  }
0x208: {  	v0 =	vld.idx.msk [tilespmem:v8+s4+$0x0], $0xffff;
	[tilespmem:s6+$0x30] =	vst v10  }
0x209: {  	s18 =	simm.s32 $0x1C9C0;
	s17 =	simm.s32 $0x0;
	v2 =	vld.idx.msk [tilespmem:v9+s4+$0x0], $0xffff;
	[tilespmem:s6+$0xFFFFFFD0] =	vst v11  }
.LBB2_23:
0x20a: {  	v6 =	vld [tilespmem:s18+$0x30];
	s17 =	sadd.s32 $0x80, s17;
	[tilespmem:s6+$0xFFFFFFE0] =	vst v5  }
0x20b: {  	v5 =	vld [tilespmem:s18+$0xFFFFFFD0];
	p1 =	slt.u32 s17, $0xF80;
	[tilespmem:s6+$0xFFFFFFF0] =	vst v4  }
0x20c: {  	v4 =	vld [tilespmem:s18+$0xFFFFFFE0];
	[tilespmem:s6+$0x0] =	vst v3  }
0x20d: {  	v3 =	vld [tilespmem:s18+$0xFFFFFFF0];
	[tilespmem:s6+$0x10] =	vst v1  }
0x20e: {  	v1 =	vld [tilespmem:s18+$0x0];
	[tilespmem:s6+$0x20] =	vst v0  }
0x20f: {  	v0 =	vld [tilespmem:s18+$0x10];
	[tilespmem:s6+$0xFFFFFFC0] =	vst v2  }
0x210: {  	v2 =	vld [tilespmem:s18+$0x20]  }
0x211: {  	v7 =	vld [tilespmem:s18+$0xFFFFFFC0]  }
0x212: {  	v6 =	vld.idx.msk [tilespmem:v6+s4+$0x0], $0xffff  }
0x213: {  	v8 =	vld.idx.msk [tilespmem:v5+s4+$0x0], $0xffff  }
0x214: {  	v5 =	vld.idx.msk [tilespmem:v4+s4+$0x0], $0xffff  }
.Ltmp10:
0x215: {  	v4 =	vld.idx.msk [tilespmem:v3+s4+$0x0], $0xffff;
	(pc) =	sbr.rel @p1 .LBB2_23-.Ltmp10, $4  }
0x216: {  	v3 =	vld.idx.msk [tilespmem:v1+s4+$0x0], $0xffff  }
0x217: {  	s6 =	sadd.s32 $0x80, s6;
	v1 =	vld.idx.msk [tilespmem:v0+s4+$0x0], $0xffff  }
0x218: {  	v0 =	vld.idx.msk [tilespmem:v2+s4+$0x0], $0xffff;
	[tilespmem:s6+$0x30] =	vst v6  }
0x219: {  	s18 =	sadd.s32 $0x80, s18;
	v2 =	vld.idx.msk [tilespmem:v7+s4+$0x0], $0xffff;
	[tilespmem:s6+$0xFFFFFFD0] =	vst v8  }
0x21a: {  	[tilespmem:s6+$0xFFFFFFE0] =	vst v5;
	s14 =	sadd.s32 $0x1, s14  }
0x21b: {  	[tilespmem:s6+$0xFFFFFFF0] =	vst v4;
	p1 =	sne.s32 s14, $0xC  }
.Ltmp11:
0x21c: {  	s16 =	sshll.u32 s16, $0x12;
	[tilespmem:s6+$0x0] =	vst v3;
	(pc) =	sbr.rel @p1 .LBB2_16-.Ltmp11, $4  }
0x21d: {  	s16 =	sor.u32 s15, s16;
	[tilespmem:s6+$0x10] =	vst v1  }
0x21e: {  	s16 =	sshrl.u32 s16, $0x3;
	[tilespmem:s6+$0x20] =	vst v0  }
0x21f: {  	s20 =	sadd.s32 s1, s16;
	[tilespmem:s6+$0xFFFFFFC0] =	vst v2  }
0x220: {  	[hbm4b:s20+s21] =	stream.strided.scatter [tilespmem:s7], [sflag:$0x4], $0x1000, s22, s21, $0x38;
	[tilespmem:$0x1F900] =	vst v63  }
0x221: {  	_ =	swait.ge [sflag:s26], $0x1000  }
0x222: {  	[sflag:s26] =	ssyncset.done $0x0  }
0x223: {  	[sflag:s26] =	ssyncadd.s32 $0xFFFFF000  }
0x224: {  	[tilespmem:s0], [sflag:$0x2] =	stream.linear.gather [spmem:s13], $0x1000, $0x38;
	[tilespmem:$0x1F900] =	vst v63  }
0x225: {  	_ =	swait.ge [sflag:s9], $0x1000  }
0x226: {  	[sflag:s9] =	ssyncset.done $0x0  }
0x227: {  	s6 =	simm.s32 $0x1B940;
	[sflag:s9] =	ssyncadd.s32 $0xFFFFF000  }
0x228: {  	v0 =	vld [tilespmem:s6+$0x30]  }
0x229: {  	v1 =	vld [tilespmem:s6+$0xFFFFFFD0]  }
0x22a: {  	v2 =	vld [tilespmem:s6+$0xFFFFFFE0]  }
0x22b: {  	v3 =	vld [tilespmem:s6+$0xFFFFFFF0]  }
0x22c: {  	v4 =	vld [tilespmem:s6+$0x0]  }
0x22d: {  	v6 =	vld [tilespmem:s6+$0x10]  }
0x22e: {  	v7 =	vld [tilespmem:s6+$0x20]  }
0x22f: {  	v8 =	vld [tilespmem:s6+$0xFFFFFFC0]  }
0x230: {  	v9 =	vld.idx.msk [tilespmem:v0+s4+$0x0], $0xffff  }
0x231: {  	v10 =	vld.idx.msk [tilespmem:v1+s4+$0x0], $0xffff  }
0x232: {  	v5 =	vld.idx.msk [tilespmem:v2+s4+$0x0], $0xffff  }
0x233: {  	v3 =	vld.idx.msk [tilespmem:v3+s4+$0x0], $0xffff  }
0x234: {  	v0 =	vld.idx.msk [tilespmem:v4+s4+$0x0], $0xffff  }
0x235: {  	s6 =	simm.s32 $0x1D940;
	v1 =	vld.idx.msk [tilespmem:v6+s4+$0x0], $0xffff  }
0x236: {  	v2 =	vld.idx.msk [tilespmem:v7+s4+$0x0], $0xffff;
	[tilespmem:s6+$0x30] =	vst v9  }
0x237: {  	s14 =	simm.s32 $0x0;
	s16 =	simm.s32 $0x1B9C0;
	v4 =	vld.idx.msk [tilespmem:v8+s4+$0x0], $0xffff;
	[tilespmem:s6+$0xFFFFFFD0] =	vst v10  }
.LBB2_26:
0x238: {  	v6 =	vld [tilespmem:s16+$0x30];
	s14 =	sadd.s32 $0x80, s14;
	[tilespmem:s6+$0xFFFFFFE0] =	vst v5  }
0x239: {  	v5 =	vld [tilespmem:s16+$0xFFFFFFD0];
	p1 =	slt.u32 s14, $0xF80;
	[tilespmem:s6+$0xFFFFFFF0] =	vst v3  }
0x23a: {  	v3 =	vld [tilespmem:s16+$0xFFFFFFE0];
	[tilespmem:s6+$0x0] =	vst v0  }
0x23b: {  	v0 =	vld [tilespmem:s16+$0xFFFFFFF0];
	[tilespmem:s6+$0x10] =	vst v1  }
0x23c: {  	v1 =	vld [tilespmem:s16+$0x0];
	[tilespmem:s6+$0x20] =	vst v2  }
0x23d: {  	v2 =	vld [tilespmem:s16+$0x10];
	[tilespmem:s6+$0xFFFFFFC0] =	vst v4  }
0x23e: {  	v4 =	vld [tilespmem:s16+$0x20]  }
0x23f: {  	v7 =	vld [tilespmem:s16+$0xFFFFFFC0]  }
0x240: {  	v6 =	vld.idx.msk [tilespmem:v6+s4+$0x0], $0xffff  }
0x241: {  	v8 =	vld.idx.msk [tilespmem:v5+s4+$0x0], $0xffff  }
0x242: {  	v5 =	vld.idx.msk [tilespmem:v3+s4+$0x0], $0xffff  }
.Ltmp12:
0x243: {  	v3 =	vld.idx.msk [tilespmem:v0+s4+$0x0], $0xffff;
	(pc) =	sbr.rel @p1 .LBB2_26-.Ltmp12, $4  }
0x244: {  	v0 =	vld.idx.msk [tilespmem:v1+s4+$0x0], $0xffff  }
0x245: {  	s6 =	sadd.s32 $0x80, s6;
	v1 =	vld.idx.msk [tilespmem:v2+s4+$0x0], $0xffff  }
0x246: {  	v2 =	vld.idx.msk [tilespmem:v4+s4+$0x0], $0xffff;
	[tilespmem:s6+$0x30] =	vst v6  }
0x247: {  	s16 =	sadd.s32 $0x80, s16;
	v4 =	vld.idx.msk [tilespmem:v7+s4+$0x0], $0xffff;
	[tilespmem:s6+$0xFFFFFFD0] =	vst v8  }
0x248: {  	[tilespmem:s6+$0xFFFFFFE0] =	vst v5  }
0x249: {  	[tilespmem:s6+$0xFFFFFFF0] =	vst v3  }
0x24a: {  	[tilespmem:s6+$0x0] =	vst v0  }
0x24b: {  	[tilespmem:s6+$0x10] =	vst v1  }
0x24c: {  	[tilespmem:s6+$0x20] =	vst v2  }
0x24d: {  	[tilespmem:s6+$0xFFFFFFC0] =	vst v4  }
0x24e: {  	s6 =	rddreg [dreg:$0xe]  }
0x24f: {  	[hbm4b:s6+s21] =	stream.strided.scatter [tilespmem:s3], [sflag:$0x3], $0x1000, s22, s21, $0x38;
	[tilespmem:$0x1F900] =	vst v63  }
0x250: {  	_ =	swait.ge [sflag:s5], $0x1000  }
0x251: {  	[sflag:s5] =	ssyncset.done $0x0  }
0x252: {  	[sflag:s5] =	ssyncadd.s32 $0xFFFFF000  }
0x253: {  	_ =	swait.ge [sflag:s10], $0x1000  }
0x254: {  	[sflag:s10] =	ssyncset.done $0x0  }
0x255: {  	s20 =	simm.s32 $0x1C940;
	[sflag:s10] =	ssyncadd.s32 $0xFFFFF000  }
0x256: {  	v0 =	vld [tilespmem:s20+$0x30]  }
0x257: {  	v1 =	vld [tilespmem:s20+$0xFFFFFFD0]  }
0x258: {  	v2 =	vld [tilespmem:s20+$0xFFFFFFE0]  }
0x259: {  	v3 =	vld [tilespmem:s20+$0xFFFFFFF0]  }
0x25a: {  	v4 =	vld [tilespmem:s20+$0x0]  }
0x25b: {  	v6 =	vld [tilespmem:s20+$0x10]  }
0x25c: {  	v7 =	vld [tilespmem:s20+$0x20]  }
0x25d: {  	v8 =	vld [tilespmem:s20+$0xFFFFFFC0]  }
0x25e: {  	v9 =	vld.idx.msk [tilespmem:v0+s4+$0x0], $0xffff  }
0x25f: {  	v10 =	vld.idx.msk [tilespmem:v1+s4+$0x0], $0xffff  }
0x260: {  	v5 =	vld.idx.msk [tilespmem:v2+s4+$0x0], $0xffff  }
0x261: {  	v3 =	vld.idx.msk [tilespmem:v3+s4+$0x0], $0xffff  }
0x262: {  	v0 =	vld.idx.msk [tilespmem:v4+s4+$0x0], $0xffff  }
0x263: {  	s6 =	simm.s32 $0x1E940;
	v1 =	vld.idx.msk [tilespmem:v6+s4+$0x0], $0xffff  }
0x264: {  	v2 =	vld.idx.msk [tilespmem:v7+s4+$0x0], $0xffff;
	[tilespmem:s6+$0x30] =	vst v9  }
0x265: {  	s14 =	simm.s32 $0x0;
	s16 =	simm.s32 $0x1C9C0;
	v4 =	vld.idx.msk [tilespmem:v8+s4+$0x0], $0xffff;
	[tilespmem:s6+$0xFFFFFFD0] =	vst v10  }
.LBB2_28:
0x266: {  	v6 =	vld [tilespmem:s16+$0x30];
	s14 =	sadd.s32 $0x80, s14;
	[tilespmem:s6+$0xFFFFFFE0] =	vst v5  }
0x267: {  	v5 =	vld [tilespmem:s16+$0xFFFFFFD0];
	p1 =	slt.u32 s14, $0xF80;
	[tilespmem:s6+$0xFFFFFFF0] =	vst v3  }
0x268: {  	v3 =	vld [tilespmem:s16+$0xFFFFFFE0];
	[tilespmem:s6+$0x0] =	vst v0  }
0x269: {  	v0 =	vld [tilespmem:s16+$0xFFFFFFF0];
	[tilespmem:s6+$0x10] =	vst v1  }
0x26a: {  	v1 =	vld [tilespmem:s16+$0x0];
	[tilespmem:s6+$0x20] =	vst v2  }
0x26b: {  	v2 =	vld [tilespmem:s16+$0x10];
	[tilespmem:s6+$0xFFFFFFC0] =	vst v4  }
0x26c: {  	v4 =	vld [tilespmem:s16+$0x20]  }
0x26d: {  	v7 =	vld [tilespmem:s16+$0xFFFFFFC0]  }
0x26e: {  	v6 =	vld.idx.msk [tilespmem:v6+s4+$0x0], $0xffff  }
0x26f: {  	v8 =	vld.idx.msk [tilespmem:v5+s4+$0x0], $0xffff  }
0x270: {  	v5 =	vld.idx.msk [tilespmem:v3+s4+$0x0], $0xffff  }
.Ltmp13:
0x271: {  	v3 =	vld.idx.msk [tilespmem:v0+s4+$0x0], $0xffff;
	(pc) =	sbr.rel @p1 .LBB2_28-.Ltmp13, $4  }
0x272: {  	v0 =	vld.idx.msk [tilespmem:v1+s4+$0x0], $0xffff  }
0x273: {  	s6 =	sadd.s32 $0x80, s6;
	v1 =	vld.idx.msk [tilespmem:v2+s4+$0x0], $0xffff  }
0x274: {  	v2 =	vld.idx.msk [tilespmem:v4+s4+$0x0], $0xffff;
	[tilespmem:s6+$0x30] =	vst v6  }
0x275: {  	s16 =	sadd.s32 $0x80, s16;
	v4 =	vld.idx.msk [tilespmem:v7+s4+$0x0], $0xffff;
	[tilespmem:s6+$0xFFFFFFD0] =	vst v8  }
0x276: {  	[tilespmem:s6+$0xFFFFFFE0] =	vst v5  }
0x277: {  	[tilespmem:s6+$0xFFFFFFF0] =	vst v3  }
0x278: {  	[tilespmem:s6+$0x0] =	vst v0  }
0x279: {  	[tilespmem:s6+$0x10] =	vst v1  }
0x27a: {  	[tilespmem:s6+$0x20] =	vst v2  }
0x27b: {  	[tilespmem:s6+$0xFFFFFFC0] =	vst v4  }
0x27c: {  	s6 =	rddreg [dreg:$0xf]  }
0x27d: {  	[hbm4b:s6+s21] =	stream.strided.scatter [tilespmem:s7], [sflag:$0x4], $0x1000, s22, s21, $0x38;
	[tilespmem:$0x1F900] =	vst v63  }
0x27e: {  	_ =	swait.ge [sflag:s9], $0x1000  }
0x27f: {  	[sflag:s9] =	ssyncset.done $0x0  }
0x280: {  	[sflag:s9] =	ssyncadd.s32 $0xFFFFF000  }
0x281: {  	_ =	swait.ge [sflag:s10], $0x1000  }
0x282: {  	s11 =	sadd.s32 $0x1, s11;
	s20 =	rddreg [dreg:$0x10]  }
0x283: {  	p1 =	sne.s32 s11, s20  }
.Ltmp14:
0x284: {  	_ = 	snop;
	(pc) =	sbr.rel @p1 .LBB2_1-.Ltmp14, $3  }
0x285: {  	_ =	sdelay $0x1  }
0x286: {  	[sflag:s10] =	ssyncset.done $0x0  }
0x287: {  	[sflag:s10] =	ssyncadd.s32 $0xFFFFF000  }
0x288: {  	_ =	sfence.sel $0x180000  }
0x289: {  	[bflag:$0x0] =	sbarrier.arrive $0xFFFF  }
0x28a: {  	_ =	strace $0x90000047  }
0x28b: {  	s0 =	stileid.u32;
	[bflag:$0x2] =	sbarrier.arrive $0xFFFF  }
0x28c: {  	p0 =	sne.s32 s0, $0x0;
	s0 =	rddreg [dreg:$0x4]  }
0x28d: {  	s0 =	sadd.s32 @!p0 $0x100000, s0  }
0x28e: {  	[sflag:s0] =	ssyncadd.tile.s32 @!p0 $0x1;
	_ =	shalt  }
.Lfunc_end2:
_tile_overlayer_lowered:
.L_overlay_start_2:
0x28f: {  	(tag) =	ssettag $0x2  }
0x290: {  	s0 =	rddreg [dreg:$0x0];
	s2 =	stileid.u32  }
0x291: {  	s1 =	rddreg [dreg:$0x1];
	p0 =	sne.s32 s2, $0x0  }
0x292: {  	s3 =	rddreg [dreg:$0x2];
	[bflag:$0x3] =	sbarrier.arrive $0xFFFF;
	s2 =	simm.s32 @!p0 $0x1C07  }
0x293: {  	[timem:s3], [sflag:s2] =	dma.local @!p0 [hbm:s0], s1  }
0x294: {  	s0 =	simm.s32 @!p0 $0x7  }
0x295: {  	_ =	swait.ge @!p0 [sflag:s0], s1  }
0x296: {  	s1 =	ssub.s32 @!p0 $0x0, s1;
	[sflag:s0] =	ssyncset.done @!p0 $0x0  }
0x297: {  	[sflag:s0] =	ssyncadd.s32 @!p0 s1  }
0x298: {  	[bflag:$0x3] =	sbarrier.arrive $0xFFFF  }
0x299: {  	_ =	shalt  }

</sc_bundles>
